<compile_context>
chip_gen: v7x
topology: tpu7x:2x2x1
jax: 0.10.2.dev20260603
libtpu: 0.0.44.dev20260713+nightly
codegen_flags: <defaults>
</compile_context>

<pallas_src>
import jax
import jax.numpy as jnp
from jax import lax
from jax.experimental import pallas as pl
from jax.experimental.pallas import tpu as pltpu
from jax.experimental.pallas import tpu_sc as plsc

N = 10000
D_IN = 128
D_HID = 64
E = 320000

C = 128
NW = 32
CHUNKS = 79
EPAD = NW * CHUNKS * C
ROWS = 10240
TR = ROWS // 16

_mesh = plsc.VectorSubcoreMesh(core_axis_name="c", subcore_axis_name="s")


def _sc_deg_body(dst_hbm, zeros_hbm, ones_hbm, deg_out, dstv, ones_v, deg_sh):
    c = lax.axis_index("c")
    s = lax.axis_index("s")
    w = s * 2 + c
    pltpu.sync_copy(zeros_hbm, deg_sh.at[pl.ds(s * TR, TR)])
    pltpu.sync_copy(dst_hbm.at[w], dstv)
    pltpu.sync_copy(ones_hbm, ones_v)
    plsc.subcore_barrier()

    def body(j, carry):
        pltpu.sync_copy(ones_v, deg_sh.at[dstv.at[j]], add=True)
        return carry

    lax.fori_loop(0, CHUNKS, body, 0)
    plsc.subcore_barrier()
    pltpu.sync_copy(deg_sh.at[pl.ds(s * TR, TR)],
                    deg_out.at[c, pl.ds(s * TR, TR)])


_sc_deg = pl.kernel(
    _sc_deg_body,
    mesh=_mesh,
    out_type=jax.ShapeDtypeStruct((2, ROWS, 1), jnp.float32),
    scratch_types=[
        pltpu.VMEM((CHUNKS, C), jnp.int32),
        pltpu.VMEM((C, 1), jnp.float32),
        pltpu.VMEM_SHARED((ROWS, 1), jnp.float32),
    ],
    compiler_params=pltpu.CompilerParams(use_tc_tiling_on_sc=False),
)


def _sc_agg_body(g_hbm, src_hbm, dst_hbm, zeros_hbm, acc_out,
                 srcv, dstv, rows_v, acc_sh, *sems):
    c = lax.axis_index("c")
    s = lax.axis_index("s")
    w = s * 2 + c
    pltpu.sync_copy(zeros_hbm, acc_sh.at[pl.ds(s * TR, TR)])
    pltpu.sync_copy(src_hbm.at[w], srcv)
    pltpu.sync_copy(dst_hbm.at[w], dstv)
    plsc.subcore_barrier()

    def body(j, carry):
        pltpu.async_copy(g_hbm.at[srcv.at[j]], rows_v, sems[0]).wait()
        pltpu.sync_copy(rows_v, acc_sh.at[dstv.at[j]], add=True)
        return carry

    lax.fori_loop(0, CHUNKS, body, 0)
    plsc.subcore_barrier()
    pltpu.sync_copy(acc_sh.at[pl.ds(s * TR, TR)],
                    acc_out.at[c, pl.ds(s * TR, TR)])


_sc_agg = pl.kernel(
    _sc_agg_body,
    mesh=_mesh,
    out_type=jax.ShapeDtypeStruct((2, ROWS, D_HID), jnp.float32),
    scratch_types=[
        pltpu.VMEM((CHUNKS, C), jnp.int32),
        pltpu.VMEM((CHUNKS, C), jnp.int32),
        pltpu.VMEM((C, D_HID), jnp.float32),
        pltpu.VMEM_SHARED((ROWS, D_HID), jnp.float32),
        pltpu.SemaphoreType.DMA,
    ],
    compiler_params=pltpu.CompilerParams(use_tc_tiling_on_sc=False),
)


def _tc_pre_body(x_ref, w1_ref, degp_ref, g1_ref, dis_ref):
    deg = degp_ref[0, :N, :] + degp_ref[1, :N, :] + 1.0
    dis = lax.rsqrt(deg)
    h = jnp.dot(x_ref[...], w1_ref[...], preferred_element_type=jnp.float32)
    g1_ref[...] = h * dis
    dis_ref[...] = dis


def _tc_mid_body(acc_ref, g1_ref, dis_ref, b1_ref, w2_ref, g2_ref):
    a = acc_ref[0, :N, :] + acc_ref[1, :N, :]
    dis = dis_ref[...]
    h1 = jnp.maximum(dis * (a + g1_ref[...]) + b1_ref[...], 0.0)
    h = jnp.dot(h1, w2_ref[...], preferred_element_type=jnp.float32)
    g2_ref[...] = h * dis


def _tc_fin_body(acc_ref, g2_ref, dis_ref, b2_ref, wc1_ref, bc1_ref,
                 wc2_ref, bc2_ref, out_ref):
    a = acc_ref[0, :N, :] + acc_ref[1, :N, :]
    h2 = jnp.maximum(dis_ref[...] * (a + g2_ref[...]) + b2_ref[...], 0.0)
    m = jnp.mean(h2, axis=0, keepdims=True)
    z = jnp.maximum(
        jnp.dot(m, wc1_ref[...], preferred_element_type=jnp.float32)
        + bc1_ref[...], 0.0)
    o = jnp.dot(z, wc2_ref[...], preferred_element_type=jnp.float32) \
        + bc2_ref[...]
    out_ref[...] = jax.nn.sigmoid(o)


def kernel(x, edge_index, W1, b1, W2, b2, Wc1, bc1, Wc2, bc2):
    ei = edge_index.astype(jnp.int32)
    pad = EPAD - E
    src = jnp.concatenate([ei[0], jnp.zeros((pad,), jnp.int32)])
    dst = jnp.concatenate([ei[1], jnp.full((pad,), N, jnp.int32)])

    src = src.reshape(NW, CHUNKS, C)
    dst = dst.reshape(NW, CHUNKS, C)

    zeros_deg = jnp.zeros((TR, 1), jnp.float32)
    ones_col = jnp.ones((C, 1), jnp.float32)
    zeros_agg = jnp.zeros((TR, D_HID), jnp.float32)

    degp = _sc_deg(dst, zeros_deg, ones_col)

    g1, dis = pl.pallas_call(
        _tc_pre_body,
        out_shape=[
            jax.ShapeDtypeStruct((N, D_HID), jnp.float32),
            jax.ShapeDtypeStruct((N, 1), jnp.float32),
        ],
    )(x, W1, degp)

    acc1 = _sc_agg(g1, src, dst, zeros_agg)

    g2 = pl.pallas_call(
        _tc_mid_body,
        out_shape=jax.ShapeDtypeStruct((N, D_HID), jnp.float32),
    )(acc1, g1, dis, b1.reshape(1, D_HID), W2)

    acc2 = _sc_agg(g2, src, dst, zeros_agg)

    out = pl.pallas_call(
        _tc_fin_body,
        out_shape=jax.ShapeDtypeStruct((1, 1), jnp.float32),
    )(acc2, g2, dis, b2.reshape(1, D_HID), Wc1, bc1.reshape(1, D_HID // 2),
      Wc2, bc2.reshape(1, 1))
    return out

# --- scband reference (transcript-rebuilt; emitter-appended) ---
"""Pipeline reference for scband-simple-tgn-38577396252850 (READ-ONLY COPY).

The authoritative reference and input builder live on the scoring server;
editing this copy changes nothing except your own understanding.
"""

import jax, jax.numpy as jnp
import numpy as np

N_NODES = 10000
N_EDGES = 320000
D_IN = 128
D_HID = 64
D_OUT = 1


def _gcn_conv(x, src, dst, W, b):
    N = x.shape[0]
    loops = jnp.arange(N, dtype=src.dtype)
    src_sl = jnp.concatenate([src, loops])
    dst_sl = jnp.concatenate([dst, loops])
    deg = jnp.zeros((N,), dtype=x.dtype).at[dst_sl].add(1.0)
    deg_inv_sqrt = jnp.where(deg > 0, deg ** -0.5, 0.0)
    norm = deg_inv_sqrt[src_sl] * deg_inv_sqrt[dst_sl]
    h = x @ W
    msgs = h[src_sl] * norm[:, None]
    out = jnp.zeros((N, h.shape[1]), dtype=x.dtype).at[dst_sl].add(msgs)
    return out + b


def setup_inputs(seed: int = 0) -> dict:
    key = jax.random.key(seed)
    ks = jax.random.split(key, 10)
    x = jax.random.normal(ks[0], (N_NODES, D_IN), dtype=jnp.float32)
    edge_index = jax.random.randint(ks[1], (2, N_EDGES), 0, N_NODES, dtype=jnp.int64)
    s1 = 1.0 / np.sqrt(D_IN)
    s2 = 1.0 / np.sqrt(D_HID)
    s3 = 1.0 / np.sqrt(D_HID)
    s4 = 1.0 / np.sqrt(D_HID // 2)
    W1 = jax.random.uniform(ks[2], (D_IN, D_HID), minval=-s1, maxval=s1, dtype=jnp.float32)
    b1 = jnp.zeros((D_HID,), dtype=jnp.float32)
    W2 = jax.random.uniform(ks[3], (D_HID, D_HID), minval=-s2, maxval=s2, dtype=jnp.float32)
    b2 = jnp.zeros((D_HID,), dtype=jnp.float32)
    Wc1 = jax.random.uniform(ks[4], (D_HID, D_HID // 2), minval=-s3, maxval=s3, dtype=jnp.float32)
    bc1 = jax.random.uniform(ks[5], (D_HID // 2,), minval=-s3, maxval=s3, dtype=jnp.float32)
    Wc2 = jax.random.uniform(ks[6], (D_HID // 2, D_OUT), minval=-s4, maxval=s4, dtype=jnp.float32)
    bc2 = jax.random.uniform(ks[7], (D_OUT,), minval=-s4, maxval=s4, dtype=jnp.float32)
    return {"x": x, "edge_index": edge_index, "W1": W1, "b1": b1, "W2": W2, "b2": b2, "Wc1": Wc1, "bc1": bc1, "Wc2": Wc2, "bc2": bc2}


def reference(x, edge_index, W1, b1, W2, b2, Wc1, bc1, Wc2, bc2):
    src = edge_index[0]
    dst = edge_index[1]
    h1 = jax.nn.relu(_gcn_conv(x, src, dst, W1, b1))
    h2 = jax.nn.relu(_gcn_conv(h1, src, dst, W2, b2))
    # batch is None -> all nodes in one graph -> global mean pool over all nodes
    graph_embedding = jnp.mean(h2, axis=0, keepdims=True)
    z = jax.nn.relu(graph_embedding @ Wc1 + bc1)
    # dropout is identity in eval mode
    out = jax.nn.sigmoid(z @ Wc2 + bc2)
    return out

if __name__ == "__main__":
    import jax
    _d = setup_inputs()
    print(jax.jit(kernel)(*tuple(_d.values())))

</pallas_src>

<mosaic_0001>
#map = affine_map<(d0, d1) -> (0, 0)>
#map1 = affine_map<(d0, d1) -> (0, 0, 0)>
module attributes {stable_mosaic.version = 14 : i64} {
  func.func @_sc_agg_body(%arg0: i32, %arg1: i32, %arg2: memref<10000x64xf32, #tpu.memory_space<hbm>>, %arg3: memref<32x79x128xi32, #tpu.memory_space<hbm>>, %arg4: memref<32x79x128xi32, #tpu.memory_space<hbm>>, %arg5: memref<640x64xf32, #tpu.memory_space<hbm>>, %arg6: memref<2x10240x64xf32, #tpu.memory_space<hbm>>, %arg7: memref<79x128xi32, #tpu.memory_space<vmem>>, %arg8: memref<79x128xi32, #tpu.memory_space<vmem>>, %arg9: memref<128x64xf32, #tpu.memory_space<vmem>>, %arg10: memref<10240x64xf32, #tpu.memory_space<vmem_shared>>, %arg11: memref<!tpu.dma_semaphore, #tpu.memory_space<semaphore_mem>>) attributes {dimension_semantics = [#tpu.dimension_semantics<core_parallel>, #tpu.dimension_semantics<subcore_parallel>], iteration_bounds = array<i64: 2, 16>, scalar_prefetch = 0 : i64, scratch_operands = 5 : i64, tpu.core_type = #tpu.core_type<sc_vector_subcore>, window_params = [{transform_indices = #map}, {transform_indices = #map1}, {transform_indices = #map1}, {transform_indices = #map}, {transform_indices = #map1}]} {
    %mul3A = arith.constant 2 : i32
    %mul3A_0 = arith.muli %arg1, %mul3A : i32
    %add3A = arith.addi %mul3A_0, %arg0 : i32
    %mul3A_1 = arith.constant 640 : i32
    %mul3A_2 = arith.muli %arg1, %mul3A_1 : i32
    "tpu.region"() ({
      %run_scoped3A = tpu.sem_alloc : memref<!tpu.dma_semaphore, #tpu.memory_space<semaphore_mem>>
      %dma_start3A = arith.constant 0 : i32
      %dma_start3A_13 = tpu.memref_slice %arg10[%mul3A_2, %dma_start3A] : memref<10240x64xf32, #tpu.memory_space<vmem_shared>> -> memref<640x64xf32, #tpu.memory_space<vmem_shared>>
      tpu.enqueue_dma source(%arg5 : memref<640x64xf32, #tpu.memory_space<hbm>>) target(%dma_start3A_13 : memref<640x64xf32, #tpu.memory_space<vmem_shared>>) target_semaphore(%run_scoped3A : memref<!tpu.dma_semaphore, #tpu.memory_space<semaphore_mem>>)
      %dma_wait3A = arith.constant 0 : i32
      %dma_wait3A_14 = tpu.memref_slice %arg10[%mul3A_2, %dma_wait3A] : memref<10240x64xf32, #tpu.memory_space<vmem_shared>> -> memref<640x64xf32, #tpu.memory_space<vmem_shared>>
      tpu.wait_dma2 semaphore(%run_scoped3A : memref<!tpu.dma_semaphore, #tpu.memory_space<semaphore_mem>>) src(%arg5 : memref<640x64xf32, #tpu.memory_space<hbm>>) dst(%dma_wait3A_14 : memref<640x64xf32, #tpu.memory_space<vmem_shared>>)
      tpu.yield
    }) : () -> ()
    "tpu.region"() ({
      %run_scoped3A = tpu.sem_alloc : memref<!tpu.dma_semaphore, #tpu.memory_space<semaphore_mem>>
      %dma_start3A = arith.constant 0 : i32
      %dma_start3A_13 = arith.constant 0 : i32
      %dma_start3A_14 = tpu.memref_slice %arg3[%add3A, %dma_start3A, %dma_start3A_13] : memref<32x79x128xi32, #tpu.memory_space<hbm>> -> memref<1x79x128xi32, #tpu.memory_space<hbm>>
      %dma_start3A_15 = tpu.memref_squeeze %dma_start3A_14 : memref<1x79x128xi32, #tpu.memory_space<hbm>> -> memref<79x128xi32, #tpu.memory_space<hbm>>
      %dma_start3A_16 = arith.constant 0 : i32
      %dma_start3A_17 = arith.constant 0 : i32
      %dma_start3A_18 = tpu.memref_slice %arg3[%add3A, %dma_start3A_16, %dma_start3A_17] : memref<32x79x128xi32, #tpu.memory_space<hbm>> -> memref<1x79x128xi32, #tpu.memory_space<hbm>>
      %dma_start3A_19 = tpu.memref_squeeze %dma_start3A_18 : memref<1x79x128xi32, #tpu.memory_space<hbm>> -> memref<79x128xi32, #tpu.memory_space<hbm>>
      tpu.enqueue_dma source(%dma_start3A_19 : memref<79x128xi32, #tpu.memory_space<hbm>>) target(%arg7 : memref<79x128xi32, #tpu.memory_space<vmem>>) target_semaphore(%run_scoped3A : memref<!tpu.dma_semaphore, #tpu.memory_space<semaphore_mem>>)
      %dma_wait3A = arith.constant 0 : i32
      %dma_wait3A_20 = arith.constant 0 : i32
      %dma_wait3A_21 = tpu.memref_slice %arg3[%add3A, %dma_wait3A, %dma_wait3A_20] : memref<32x79x128xi32, #tpu.memory_space<hbm>> -> memref<1x79x128xi32, #tpu.memory_space<hbm>>
      %dma_wait3A_22 = tpu.memref_squeeze %dma_wait3A_21 : memref<1x79x128xi32, #tpu.memory_space<hbm>> -> memref<79x128xi32, #tpu.memory_space<hbm>>
      %dma_wait3A_23 = arith.constant 0 : i32
      %dma_wait3A_24 = arith.constant 0 : i32
      %dma_wait3A_25 = tpu.memref_slice %arg3[%add3A, %dma_wait3A_23, %dma_wait3A_24] : memref<32x79x128xi32, #tpu.memory_space<hbm>> -> memref<1x79x128xi32, #tpu.memory_space<hbm>>
      %dma_wait3A_26 = tpu.memref_squeeze %dma_wait3A_25 : memref<1x79x128xi32, #tpu.memory_space<hbm>> -> memref<79x128xi32, #tpu.memory_space<hbm>>
      tpu.wait_dma2 semaphore(%run_scoped3A : memref<!tpu.dma_semaphore, #tpu.memory_space<semaphore_mem>>) src(%dma_wait3A_26 : memref<79x128xi32, #tpu.memory_space<hbm>>) dst(%arg7 : memref<79x128xi32, #tpu.memory_space<vmem>>)
      tpu.yield
    }) : () -> ()
    "tpu.region"() ({
      %run_scoped3A = tpu.sem_alloc : memref<!tpu.dma_semaphore, #tpu.memory_space<semaphore_mem>>
      %dma_start3A = arith.constant 0 : i32
      %dma_start3A_13 = arith.constant 0 : i32
      %dma_start3A_14 = tpu.memref_slice %arg4[%add3A, %dma_start3A, %dma_start3A_13] : memref<32x79x128xi32, #tpu.memory_space<hbm>> -> memref<1x79x128xi32, #tpu.memory_space<hbm>>
      %dma_start3A_15 = tpu.memref_squeeze %dma_start3A_14 : memref<1x79x128xi32, #tpu.memory_space<hbm>> -> memref<79x128xi32, #tpu.memory_space<hbm>>
      %dma_start3A_16 = arith.constant 0 : i32
      %dma_start3A_17 = arith.constant 0 : i32
      %dma_start3A_18 = tpu.memref_slice %arg4[%add3A, %dma_start3A_16, %dma_start3A_17] : memref<32x79x128xi32, #tpu.memory_space<hbm>> -> memref<1x79x128xi32, #tpu.memory_space<hbm>>
      %dma_start3A_19 = tpu.memref_squeeze %dma_start3A_18 : memref<1x79x128xi32, #tpu.memory_space<hbm>> -> memref<79x128xi32, #tpu.memory_space<hbm>>
      tpu.enqueue_dma source(%dma_start3A_19 : memref<79x128xi32, #tpu.memory_space<hbm>>) target(%arg8 : memref<79x128xi32, #tpu.memory_space<vmem>>) target_semaphore(%run_scoped3A : memref<!tpu.dma_semaphore, #tpu.memory_space<semaphore_mem>>)
      %dma_wait3A = arith.constant 0 : i32
      %dma_wait3A_20 = arith.constant 0 : i32
      %dma_wait3A_21 = tpu.memref_slice %arg4[%add3A, %dma_wait3A, %dma_wait3A_20] : memref<32x79x128xi32, #tpu.memory_space<hbm>> -> memref<1x79x128xi32, #tpu.memory_space<hbm>>
      %dma_wait3A_22 = tpu.memref_squeeze %dma_wait3A_21 : memref<1x79x128xi32, #tpu.memory_space<hbm>> -> memref<79x128xi32, #tpu.memory_space<hbm>>
      %dma_wait3A_23 = arith.constant 0 : i32
      %dma_wait3A_24 = arith.constant 0 : i32
      %dma_wait3A_25 = tpu.memref_slice %arg4[%add3A, %dma_wait3A_23, %dma_wait3A_24] : memref<32x79x128xi32, #tpu.memory_space<hbm>> -> memref<1x79x128xi32, #tpu.memory_space<hbm>>
      %dma_wait3A_26 = tpu.memref_squeeze %dma_wait3A_25 : memref<1x79x128xi32, #tpu.memory_space<hbm>> -> memref<79x128xi32, #tpu.memory_space<hbm>>
      tpu.wait_dma2 semaphore(%run_scoped3A : memref<!tpu.dma_semaphore, #tpu.memory_space<semaphore_mem>>) src(%dma_wait3A_26 : memref<79x128xi32, #tpu.memory_space<hbm>>) dst(%arg8 : memref<79x128xi32, #tpu.memory_space<vmem>>)
      tpu.yield
    }) : () -> ()
    %barrier3A = arith.constant 0 : index
    tpu.barrier barrier_id(%barrier3A)
    %scan3A = arith.constant 0 : i32
    %scan3A_3 = arith.constant 0 : i32
    %scan3A_4 = arith.constant 79 : i32
    %scan3A_5 = arith.addi %scan3A_3, %scan3A_4 : i32
    %scan3A_6 = arith.constant 1 : i32
    scf.for %scan3A_13 = %scan3A_3 to %scan3A_5 step %scan3A_6  : i32 {
      %dma_start3A = arith.constant 0 : i32
      %dma_start3A_14 = tpu.memref_slice %arg7[%scan3A_13, %dma_start3A] : memref<79x128xi32, #tpu.memory_space<vmem>> -> memref<1x128xi32, #tpu.memory_space<vmem>>
      %dma_start3A_15 = tpu.memref_squeeze %dma_start3A_14 : memref<1x128xi32, #tpu.memory_space<vmem>> -> memref<128xi32, #tpu.memory_space<vmem>>
      %dma_start3A_16 = arith.constant 0 : i32
      %dma_start3A_17 = arith.constant 0 : i32
      %dma_start3A_18 = tpu.memref_slice %arg2[%dma_start3A_16, %dma_start3A_17] : memref<10000x64xf32, #tpu.memory_space<hbm>> -> memref<10000x64xf32, #tpu.memory_space<hbm>>
      tpu.enqueue_indirect_dma source(%dma_start3A_18 : memref<10000x64xf32, #tpu.memory_space<hbm>>) target(%arg9 : memref<128x64xf32, #tpu.memory_space<vmem>>) offsets(%dma_start3A_15 : memref<128xi32, #tpu.memory_space<vmem>>) semaphore(%arg11 : memref<!tpu.dma_semaphore, #tpu.memory_space<semaphore_mem>>)
      %dma_wait3A = arith.constant 0 : i32
      %dma_wait3A_19 = tpu.memref_slice %arg7[%scan3A_13, %dma_wait3A] : memref<79x128xi32, #tpu.memory_space<vmem>> -> memref<1x128xi32, #tpu.memory_space<vmem>>
      %dma_wait3A_20 = tpu.memref_squeeze %dma_wait3A_19 : memref<1x128xi32, #tpu.memory_space<vmem>> -> memref<128xi32, #tpu.memory_space<vmem>>
      %dma_wait3A_21 = arith.constant 0 : i32
      %dma_wait3A_22 = arith.constant 0 : i32
      %dma_wait3A_23 = tpu.memref_slice %arg2[%dma_wait3A_21, %dma_wait3A_22] : memref<10000x64xf32, #tpu.memory_space<hbm>> -> memref<10000x64xf32, #tpu.memory_space<hbm>>
      tpu.wait_indirect_dma semaphore(%arg11 : memref<!tpu.dma_semaphore, #tpu.memory_space<semaphore_mem>>) src(%dma_wait3A_23 : memref<10000x64xf32, #tpu.memory_space<hbm>>) dst(%arg9 : memref<128x64xf32, #tpu.memory_space<vmem>>)
      "tpu.region"() ({
        %run_scoped3A = tpu.sem_alloc : memref<!tpu.dma_semaphore, #tpu.memory_space<semaphore_mem>>
        %dma_start3A_24 = arith.constant 0 : i32
        %dma_start3A_25 = tpu.memref_slice %arg8[%scan3A_13, %dma_start3A_24] : memref<79x128xi32, #tpu.memory_space<vmem>> -> memref<1x128xi32, #tpu.memory_space<vmem>>
        %dma_start3A_26 = tpu.memref_squeeze %dma_start3A_25 : memref<1x128xi32, #tpu.memory_space<vmem>> -> memref<128xi32, #tpu.memory_space<vmem>>
        %dma_start3A_27 = arith.constant 0 : i32
        %dma_start3A_28 = arith.constant 0 : i32
        %dma_start3A_29 = tpu.memref_slice %arg10[%dma_start3A_27, %dma_start3A_28] : memref<10240x64xf32, #tpu.memory_space<vmem_shared>> -> memref<10240x64xf32, #tpu.memory_space<vmem_shared>>
        tpu.enqueue_indirect_dma source(%arg9 : memref<128x64xf32, #tpu.memory_space<vmem>>) target(%dma_start3A_29 : memref<10240x64xf32, #tpu.memory_space<vmem_shared>>) offsets(%dma_start3A_26 : memref<128xi32, #tpu.memory_space<vmem>>) semaphore(%run_scoped3A : memref<!tpu.dma_semaphore, #tpu.memory_space<semaphore_mem>>) {add = true}
        %dma_wait3A_30 = arith.constant 0 : i32
        %dma_wait3A_31 = tpu.memref_slice %arg8[%scan3A_13, %dma_wait3A_30] : memref<79x128xi32, #tpu.memory_space<vmem>> -> memref<1x128xi32, #tpu.memory_space<vmem>>
        %dma_wait3A_32 = tpu.memref_squeeze %dma_wait3A_31 : memref<1x128xi32, #tpu.memory_space<vmem>> -> memref<128xi32, #tpu.memory_space<vmem>>
        %dma_wait3A_33 = arith.constant 0 : i32
        %dma_wait3A_34 = arith.constant 0 : i32
        %dma_wait3A_35 = tpu.memref_slice %arg10[%dma_wait3A_33, %dma_wait3A_34] : memref<10240x64xf32, #tpu.memory_space<vmem_shared>> -> memref<10240x64xf32, #tpu.memory_space<vmem_shared>>
        tpu.wait_indirect_dma semaphore(%run_scoped3A : memref<!tpu.dma_semaphore, #tpu.memory_space<semaphore_mem>>) src(%arg9 : memref<128x64xf32, #tpu.memory_space<vmem>>) dst(%dma_wait3A_35 : memref<10240x64xf32, #tpu.memory_space<vmem_shared>>)
        tpu.yield
      }) : () -> ()
    }
    %scan3A_7 = arith.constant 79 : i32
    %barrier3A_8 = arith.constant 0 : index
    tpu.barrier barrier_id(%barrier3A_8)
    %mul3A_9 = arith.constant 640 : i32
    %mul3A_10 = arith.muli %arg1, %mul3A_9 : i32
    %mul3A_11 = arith.constant 640 : i32
    %mul3A_12 = arith.muli %arg1, %mul3A_11 : i32
    "tpu.region"() ({
      %run_scoped3A = tpu.sem_alloc : memref<!tpu.dma_semaphore, #tpu.memory_space<semaphore_mem>>
      %dma_start3A = arith.constant 0 : i32
      %dma_start3A_13 = tpu.memref_slice %arg6[%arg0, %mul3A_12, %dma_start3A] : memref<2x10240x64xf32, #tpu.memory_space<hbm>> -> memref<1x640x64xf32, #tpu.memory_space<hbm>>
      %dma_start3A_14 = tpu.memref_squeeze %dma_start3A_13 : memref<1x640x64xf32, #tpu.memory_space<hbm>> -> memref<640x64xf32, #tpu.memory_space<hbm>>
      %dma_start3A_15 = arith.constant 0 : i32
      %dma_start3A_16 = tpu.memref_slice %arg10[%mul3A_10, %dma_start3A_15] : memref<10240x64xf32, #tpu.memory_space<vmem_shared>> -> memref<640x64xf32, #tpu.memory_space<vmem_shared>>
      tpu.enqueue_dma source(%dma_start3A_16 : memref<640x64xf32, #tpu.memory_space<vmem_shared>>) target(%dma_start3A_14 : memref<640x64xf32, #tpu.memory_space<hbm>>) target_semaphore(%run_scoped3A : memref<!tpu.dma_semaphore, #tpu.memory_space<semaphore_mem>>)
      %dma_wait3A = arith.constant 0 : i32
      %dma_wait3A_17 = tpu.memref_slice %arg6[%arg0, %mul3A_12, %dma_wait3A] : memref<2x10240x64xf32, #tpu.memory_space<hbm>> -> memref<1x640x64xf32, #tpu.memory_space<hbm>>
      %dma_wait3A_18 = tpu.memref_squeeze %dma_wait3A_17 : memref<1x640x64xf32, #tpu.memory_space<hbm>> -> memref<640x64xf32, #tpu.memory_space<hbm>>
      %dma_wait3A_19 = arith.constant 0 : i32
      %dma_wait3A_20 = tpu.memref_slice %arg10[%mul3A_10, %dma_wait3A_19] : memref<10240x64xf32, #tpu.memory_space<vmem_shared>> -> memref<640x64xf32, #tpu.memory_space<vmem_shared>>
      tpu.wait_dma2 semaphore(%run_scoped3A : memref<!tpu.dma_semaphore, #tpu.memory_space<semaphore_mem>>) src(%dma_wait3A_20 : memref<640x64xf32, #tpu.memory_space<vmem_shared>>) dst(%dma_wait3A_18 : memref<640x64xf32, #tpu.memory_space<hbm>>)
      tpu.yield
    }) : () -> ()
    return
  }
}

#map = affine_map<(d0, d1) -> (0, 0, 0)>
#map1 = affine_map<(d0, d1) -> (0, 0)>
module attributes {stable_mosaic.version = 14 : i64} {
  func.func @_sc_deg_body(%arg0: i32, %arg1: i32, %arg2: memref<32x79x128xi32, #tpu.memory_space<hbm>>, %arg3: memref<640x1xf32, #tpu.memory_space<hbm>>, %arg4: memref<128x1xf32, #tpu.memory_space<hbm>>, %arg5: memref<2x10240x1xf32, #tpu.memory_space<hbm>>, %arg6: memref<79x128xi32, #tpu.memory_space<vmem>>, %arg7: memref<128x1xf32, #tpu.memory_space<vmem>>, %arg8: memref<10240x1xf32, #tpu.memory_space<vmem_shared>>) attributes {dimension_semantics = [#tpu.dimension_semantics<core_parallel>, #tpu.dimension_semantics<subcore_parallel>], iteration_bounds = array<i64: 2, 16>, scalar_prefetch = 0 : i64, scratch_operands = 3 : i64, tpu.core_type = #tpu.core_type<sc_vector_subcore>, window_params = [{transform_indices = #map}, {transform_indices = #map1}, {transform_indices = #map1}, {transform_indices = #map}]} {
    %mul3A = arith.constant 2 : i32
    %mul3A_0 = arith.muli %arg1, %mul3A : i32
    %add3A = arith.addi %mul3A_0, %arg0 : i32
    %mul3A_1 = arith.constant 640 : i32
    %mul3A_2 = arith.muli %arg1, %mul3A_1 : i32
    "tpu.region"() ({
      %run_scoped3A = tpu.sem_alloc : memref<!tpu.dma_semaphore, #tpu.memory_space<semaphore_mem>>
      %dma_start3A = arith.constant 0 : i32
      %dma_start3A_13 = tpu.memref_slice %arg8[%mul3A_2, %dma_start3A] : memref<10240x1xf32, #tpu.memory_space<vmem_shared>> -> memref<640x1xf32, #tpu.memory_space<vmem_shared>>
      tpu.enqueue_dma source(%arg3 : memref<640x1xf32, #tpu.memory_space<hbm>>) target(%dma_start3A_13 : memref<640x1xf32, #tpu.memory_space<vmem_shared>>) target_semaphore(%run_scoped3A : memref<!tpu.dma_semaphore, #tpu.memory_space<semaphore_mem>>)
      %dma_wait3A = arith.constant 0 : i32
      %dma_wait3A_14 = tpu.memref_slice %arg8[%mul3A_2, %dma_wait3A] : memref<10240x1xf32, #tpu.memory_space<vmem_shared>> -> memref<640x1xf32, #tpu.memory_space<vmem_shared>>
      tpu.wait_dma2 semaphore(%run_scoped3A : memref<!tpu.dma_semaphore, #tpu.memory_space<semaphore_mem>>) src(%arg3 : memref<640x1xf32, #tpu.memory_space<hbm>>) dst(%dma_wait3A_14 : memref<640x1xf32, #tpu.memory_space<vmem_shared>>)
      tpu.yield
    }) : () -> ()
    "tpu.region"() ({
      %run_scoped3A = tpu.sem_alloc : memref<!tpu.dma_semaphore, #tpu.memory_space<semaphore_mem>>
      %dma_start3A = arith.constant 0 : i32
      %dma_start3A_13 = arith.constant 0 : i32
      %dma_start3A_14 = tpu.memref_slice %arg2[%add3A, %dma_start3A, %dma_start3A_13] : memref<32x79x128xi32, #tpu.memory_space<hbm>> -> memref<1x79x128xi32, #tpu.memory_space<hbm>>
      %dma_start3A_15 = tpu.memref_squeeze %dma_start3A_14 : memref<1x79x128xi32, #tpu.memory_space<hbm>> -> memref<79x128xi32, #tpu.memory_space<hbm>>
      %dma_start3A_16 = arith.constant 0 : i32
      %dma_start3A_17 = arith.constant 0 : i32
      %dma_start3A_18 = tpu.memref_slice %arg2[%add3A, %dma_start3A_16, %dma_start3A_17] : memref<32x79x128xi32, #tpu.memory_space<hbm>> -> memref<1x79x128xi32, #tpu.memory_space<hbm>>
      %dma_start3A_19 = tpu.memref_squeeze %dma_start3A_18 : memref<1x79x128xi32, #tpu.memory_space<hbm>> -> memref<79x128xi32, #tpu.memory_space<hbm>>
      tpu.enqueue_dma source(%dma_start3A_19 : memref<79x128xi32, #tpu.memory_space<hbm>>) target(%arg6 : memref<79x128xi32, #tpu.memory_space<vmem>>) target_semaphore(%run_scoped3A : memref<!tpu.dma_semaphore, #tpu.memory_space<semaphore_mem>>)
      %dma_wait3A = arith.constant 0 : i32
      %dma_wait3A_20 = arith.constant 0 : i32
      %dma_wait3A_21 = tpu.memref_slice %arg2[%add3A, %dma_wait3A, %dma_wait3A_20] : memref<32x79x128xi32, #tpu.memory_space<hbm>> -> memref<1x79x128xi32, #tpu.memory_space<hbm>>
      %dma_wait3A_22 = tpu.memref_squeeze %dma_wait3A_21 : memref<1x79x128xi32, #tpu.memory_space<hbm>> -> memref<79x128xi32, #tpu.memory_space<hbm>>
      %dma_wait3A_23 = arith.constant 0 : i32
      %dma_wait3A_24 = arith.constant 0 : i32
      %dma_wait3A_25 = tpu.memref_slice %arg2[%add3A, %dma_wait3A_23, %dma_wait3A_24] : memref<32x79x128xi32, #tpu.memory_space<hbm>> -> memref<1x79x128xi32, #tpu.memory_space<hbm>>
      %dma_wait3A_26 = tpu.memref_squeeze %dma_wait3A_25 : memref<1x79x128xi32, #tpu.memory_space<hbm>> -> memref<79x128xi32, #tpu.memory_space<hbm>>
      tpu.wait_dma2 semaphore(%run_scoped3A : memref<!tpu.dma_semaphore, #tpu.memory_space<semaphore_mem>>) src(%dma_wait3A_26 : memref<79x128xi32, #tpu.memory_space<hbm>>) dst(%arg6 : memref<79x128xi32, #tpu.memory_space<vmem>>)
      tpu.yield
    }) : () -> ()
    "tpu.region"() ({
      %run_scoped3A = tpu.sem_alloc : memref<!tpu.dma_semaphore, #tpu.memory_space<semaphore_mem>>
      tpu.enqueue_dma source(%arg4 : memref<128x1xf32, #tpu.memory_space<hbm>>) target(%arg7 : memref<128x1xf32, #tpu.memory_space<vmem>>) target_semaphore(%run_scoped3A : memref<!tpu.dma_semaphore, #tpu.memory_space<semaphore_mem>>)
      tpu.wait_dma2 semaphore(%run_scoped3A : memref<!tpu.dma_semaphore, #tpu.memory_space<semaphore_mem>>) src(%arg4 : memref<128x1xf32, #tpu.memory_space<hbm>>) dst(%arg7 : memref<128x1xf32, #tpu.memory_space<vmem>>)
      tpu.yield
    }) : () -> ()
    %barrier3A = arith.constant 0 : index
    tpu.barrier barrier_id(%barrier3A)
    %scan3A = arith.constant 0 : i32
    %scan3A_3 = arith.constant 0 : i32
    %scan3A_4 = arith.constant 79 : i32
    %scan3A_5 = arith.addi %scan3A_3, %scan3A_4 : i32
    %scan3A_6 = arith.constant 1 : i32
    scf.for %scan3A_13 = %scan3A_3 to %scan3A_5 step %scan3A_6  : i32 {
      "tpu.region"() ({
        %run_scoped3A = tpu.sem_alloc : memref<!tpu.dma_semaphore, #tpu.memory_space<semaphore_mem>>
        %dma_start3A = arith.constant 0 : i32
        %dma_start3A_14 = tpu.memref_slice %arg6[%scan3A_13, %dma_start3A] : memref<79x128xi32, #tpu.memory_space<vmem>> -> memref<1x128xi32, #tpu.memory_space<vmem>>
        %dma_start3A_15 = tpu.memref_squeeze %dma_start3A_14 : memref<1x128xi32, #tpu.memory_space<vmem>> -> memref<128xi32, #tpu.memory_space<vmem>>
        %dma_start3A_16 = arith.constant 0 : i32
        %dma_start3A_17 = arith.constant 0 : i32
        %dma_start3A_18 = tpu.memref_slice %arg8[%dma_start3A_16, %dma_start3A_17] : memref<10240x1xf32, #tpu.memory_space<vmem_shared>> -> memref<10240x1xf32, #tpu.memory_space<vmem_shared>>
        tpu.enqueue_indirect_dma source(%arg7 : memref<128x1xf32, #tpu.memory_space<vmem>>) target(%dma_start3A_18 : memref<10240x1xf32, #tpu.memory_space<vmem_shared>>) offsets(%dma_start3A_15 : memref<128xi32, #tpu.memory_space<vmem>>) semaphore(%run_scoped3A : memref<!tpu.dma_semaphore, #tpu.memory_space<semaphore_mem>>) {add = true}
        %dma_wait3A = arith.constant 0 : i32
        %dma_wait3A_19 = tpu.memref_slice %arg6[%scan3A_13, %dma_wait3A] : memref<79x128xi32, #tpu.memory_space<vmem>> -> memref<1x128xi32, #tpu.memory_space<vmem>>
        %dma_wait3A_20 = tpu.memref_squeeze %dma_wait3A_19 : memref<1x128xi32, #tpu.memory_space<vmem>> -> memref<128xi32, #tpu.memory_space<vmem>>
        %dma_wait3A_21 = arith.constant 0 : i32
        %dma_wait3A_22 = arith.constant 0 : i32
        %dma_wait3A_23 = tpu.memref_slice %arg8[%dma_wait3A_21, %dma_wait3A_22] : memref<10240x1xf32, #tpu.memory_space<vmem_shared>> -> memref<10240x1xf32, #tpu.memory_space<vmem_shared>>
        tpu.wait_indirect_dma semaphore(%run_scoped3A : memref<!tpu.dma_semaphore, #tpu.memory_space<semaphore_mem>>) src(%arg7 : memref<128x1xf32, #tpu.memory_space<vmem>>) dst(%dma_wait3A_23 : memref<10240x1xf32, #tpu.memory_space<vmem_shared>>)
        tpu.yield
      }) : () -> ()
    }
    %scan3A_7 = arith.constant 79 : i32
    %barrier3A_8 = arith.constant 0 : index
    tpu.barrier barrier_id(%barrier3A_8)
    %mul3A_9 = arith.constant 640 : i32
    %mul3A_10 = arith.muli %arg1, %mul3A_9 : i32
    %mul3A_11 = arith.constant 640 : i32
    %mul3A_12 = arith.muli %arg1, %mul3A_11 : i32
    "tpu.region"() ({
      %run_scoped3A = tpu.sem_alloc : memref<!tpu.dma_semaphore, #tpu.memory_space<semaphore_mem>>
      %dma_start3A = arith.constant 0 : i32
      %dma_start3A_13 = tpu.memref_slice %arg5[%arg0, %mul3A_12, %dma_start3A] : memref<2x10240x1xf32, #tpu.memory_space<hbm>> -> memref<1x640x1xf32, #tpu.memory_space<hbm>>
      %dma_start3A_14 = tpu.memref_squeeze %dma_start3A_13 : memref<1x640x1xf32, #tpu.memory_space<hbm>> -> memref<640x1xf32, #tpu.memory_space<hbm>>
      %dma_start3A_15 = arith.constant 0 : i32
      %dma_start3A_16 = tpu.memref_slice %arg8[%mul3A_10, %dma_start3A_15] : memref<10240x1xf32, #tpu.memory_space<vmem_shared>> -> memref<640x1xf32, #tpu.memory_space<vmem_shared>>
      tpu.enqueue_dma source(%dma_start3A_16 : memref<640x1xf32, #tpu.memory_space<vmem_shared>>) target(%dma_start3A_14 : memref<640x1xf32, #tpu.memory_space<hbm>>) target_semaphore(%run_scoped3A : memref<!tpu.dma_semaphore, #tpu.memory_space<semaphore_mem>>)
      %dma_wait3A = arith.constant 0 : i32
      %dma_wait3A_17 = tpu.memref_slice %arg5[%arg0, %mul3A_12, %dma_wait3A] : memref<2x10240x1xf32, #tpu.memory_space<hbm>> -> memref<1x640x1xf32, #tpu.memory_space<hbm>>
      %dma_wait3A_18 = tpu.memref_squeeze %dma_wait3A_17 : memref<1x640x1xf32, #tpu.memory_space<hbm>> -> memref<640x1xf32, #tpu.memory_space<hbm>>
      %dma_wait3A_19 = arith.constant 0 : i32
      %dma_wait3A_20 = tpu.memref_slice %arg8[%mul3A_10, %dma_wait3A_19] : memref<10240x1xf32, #tpu.memory_space<vmem_shared>> -> memref<640x1xf32, #tpu.memory_space<vmem_shared>>
      tpu.wait_dma2 semaphore(%run_scoped3A : memref<!tpu.dma_semaphore, #tpu.memory_space<semaphore_mem>>) src(%dma_wait3A_20 : memref<640x1xf32, #tpu.memory_space<vmem_shared>>) dst(%dma_wait3A_18 : memref<640x1xf32, #tpu.memory_space<hbm>>)
      tpu.yield
    }) : () -> ()
    return
  }
}

#map = affine_map<(d0, d1) -> (0, 0)>
#map1 = affine_map<(d0, d1) -> (0, 0, 0)>
module attributes {stable_mosaic.version = 14 : i64} {
  func.func @_sc_agg_body(%arg0: i32, %arg1: i32, %arg2: memref<10000x64xf32, #tpu.memory_space<hbm>>, %arg3: memref<32x79x128xi32, #tpu.memory_space<hbm>>, %arg4: memref<32x79x128xi32, #tpu.memory_space<hbm>>, %arg5: memref<640x64xf32, #tpu.memory_space<hbm>>, %arg6: memref<2x10240x64xf32, #tpu.memory_space<hbm>>, %arg7: memref<79x128xi32, #tpu.memory_space<vmem>>, %arg8: memref<79x128xi32, #tpu.memory_space<vmem>>, %arg9: memref<128x64xf32, #tpu.memory_space<vmem>>, %arg10: memref<10240x64xf32, #tpu.memory_space<vmem_shared>>, %arg11: memref<!tpu.dma_semaphore, #tpu.memory_space<semaphore_mem>>) attributes {dimension_semantics = [#tpu.dimension_semantics<core_parallel>, #tpu.dimension_semantics<subcore_parallel>], iteration_bounds = array<i64: 2, 16>, scalar_prefetch = 0 : i64, scratch_operands = 5 : i64, tpu.core_type = #tpu.core_type<sc_vector_subcore>, window_params = [{transform_indices = #map}, {transform_indices = #map1}, {transform_indices = #map1}, {transform_indices = #map}, {transform_indices = #map1}]} {
    %mul3A = arith.constant 2 : i32
    %mul3A_0 = arith.muli %arg1, %mul3A : i32
    %add3A = arith.addi %mul3A_0, %arg0 : i32
    %mul3A_1 = arith.constant 640 : i32
    %mul3A_2 = arith.muli %arg1, %mul3A_1 : i32
    "tpu.region"() ({
      %run_scoped3A = tpu.sem_alloc : memref<!tpu.dma_semaphore, #tpu.memory_space<semaphore_mem>>
      %dma_start3A = arith.constant 0 : i32
      %dma_start3A_13 = tpu.memref_slice %arg10[%mul3A_2, %dma_start3A] : memref<10240x64xf32, #tpu.memory_space<vmem_shared>> -> memref<640x64xf32, #tpu.memory_space<vmem_shared>>
      tpu.enqueue_dma source(%arg5 : memref<640x64xf32, #tpu.memory_space<hbm>>) target(%dma_start3A_13 : memref<640x64xf32, #tpu.memory_space<vmem_shared>>) target_semaphore(%run_scoped3A : memref<!tpu.dma_semaphore, #tpu.memory_space<semaphore_mem>>)
      %dma_wait3A = arith.constant 0 : i32
      %dma_wait3A_14 = tpu.memref_slice %arg10[%mul3A_2, %dma_wait3A] : memref<10240x64xf32, #tpu.memory_space<vmem_shared>> -> memref<640x64xf32, #tpu.memory_space<vmem_shared>>
      tpu.wait_dma2 semaphore(%run_scoped3A : memref<!tpu.dma_semaphore, #tpu.memory_space<semaphore_mem>>) src(%arg5 : memref<640x64xf32, #tpu.memory_space<hbm>>) dst(%dma_wait3A_14 : memref<640x64xf32, #tpu.memory_space<vmem_shared>>)
      tpu.yield
    }) : () -> ()
    "tpu.region"() ({
      %run_scoped3A = tpu.sem_alloc : memref<!tpu.dma_semaphore, #tpu.memory_space<semaphore_mem>>
      %dma_start3A = arith.constant 0 : i32
      %dma_start3A_13 = arith.constant 0 : i32
      %dma_start3A_14 = tpu.memref_slice %arg3[%add3A, %dma_start3A, %dma_start3A_13] : memref<32x79x128xi32, #tpu.memory_space<hbm>> -> memref<1x79x128xi32, #tpu.memory_space<hbm>>
      %dma_start3A_15 = tpu.memref_squeeze %dma_start3A_14 : memref<1x79x128xi32, #tpu.memory_space<hbm>> -> memref<79x128xi32, #tpu.memory_space<hbm>>
      %dma_start3A_16 = arith.constant 0 : i32
      %dma_start3A_17 = arith.constant 0 : i32
      %dma_start3A_18 = tpu.memref_slice %arg3[%add3A, %dma_start3A_16, %dma_start3A_17] : memref<32x79x128xi32, #tpu.memory_space<hbm>> -> memref<1x79x128xi32, #tpu.memory_space<hbm>>
      %dma_start3A_19 = tpu.memref_squeeze %dma_start3A_18 : memref<1x79x128xi32, #tpu.memory_space<hbm>> -> memref<79x128xi32, #tpu.memory_space<hbm>>
      tpu.enqueue_dma source(%dma_start3A_19 : memref<79x128xi32, #tpu.memory_space<hbm>>) target(%arg7 : memref<79x128xi32, #tpu.memory_space<vmem>>) target_semaphore(%run_scoped3A : memref<!tpu.dma_semaphore, #tpu.memory_space<semaphore_mem>>)
      %dma_wait3A = arith.constant 0 : i32
      %dma_wait3A_20 = arith.constant 0 : i32
      %dma_wait3A_21 = tpu.memref_slice %arg3[%add3A, %dma_wait3A, %dma_wait3A_20] : memref<32x79x128xi32, #tpu.memory_space<hbm>> -> memref<1x79x128xi32, #tpu.memory_space<hbm>>
      %dma_wait3A_22 = tpu.memref_squeeze %dma_wait3A_21 : memref<1x79x128xi32, #tpu.memory_space<hbm>> -> memref<79x128xi32, #tpu.memory_space<hbm>>
      %dma_wait3A_23 = arith.constant 0 : i32
      %dma_wait3A_24 = arith.constant 0 : i32
      %dma_wait3A_25 = tpu.memref_slice %arg3[%add3A, %dma_wait3A_23, %dma_wait3A_24] : memref<32x79x128xi32, #tpu.memory_space<hbm>> -> memref<1x79x128xi32, #tpu.memory_space<hbm>>
      %dma_wait3A_26 = tpu.memref_squeeze %dma_wait3A_25 : memref<1x79x128xi32, #tpu.memory_space<hbm>> -> memref<79x128xi32, #tpu.memory_space<hbm>>
      tpu.wait_dma2 semaphore(%run_scoped3A : memref<!tpu.dma_semaphore, #tpu.memory_space<semaphore_mem>>) src(%dma_wait3A_26 : memref<79x128xi32, #tpu.memory_space<hbm>>) dst(%arg7 : memref<79x128xi32, #tpu.memory_space<vmem>>)
      tpu.yield
    }) : () -> ()
    "tpu.region"() ({
      %run_scoped3A = tpu.sem_alloc : memref<!tpu.dma_semaphore, #tpu.memory_space<semaphore_mem>>
      %dma_start3A = arith.constant 0 : i32
      %dma_start3A_13 = arith.constant 0 : i32
      %dma_start3A_14 = tpu.memref_slice %arg4[%add3A, %dma_start3A, %dma_start3A_13] : memref<32x79x128xi32, #tpu.memory_space<hbm>> -> memref<1x79x128xi32, #tpu.memory_space<hbm>>
      %dma_start3A_15 = tpu.memref_squeeze %dma_start3A_14 : memref<1x79x128xi32, #tpu.memory_space<hbm>> -> memref<79x128xi32, #tpu.memory_space<hbm>>
      %dma_start3A_16 = arith.constant 0 : i32
      %dma_start3A_17 = arith.constant 0 : i32
      %dma_start3A_18 = tpu.memref_slice %arg4[%add3A, %dma_start3A_16, %dma_start3A_17] : memref<32x79x128xi32, #tpu.memory_space<hbm>> -> memref<1x79x128xi32, #tpu.memory_space<hbm>>
      %dma_start3A_19 = tpu.memref_squeeze %dma_start3A_18 : memref<1x79x128xi32, #tpu.memory_space<hbm>> -> memref<79x128xi32, #tpu.memory_space<hbm>>
      tpu.enqueue_dma source(%dma_start3A_19 : memref<79x128xi32, #tpu.memory_space<hbm>>) target(%arg8 : memref<79x128xi32, #tpu.memory_space<vmem>>) target_semaphore(%run_scoped3A : memref<!tpu.dma_semaphore, #tpu.memory_space<semaphore_mem>>)
      %dma_wait3A = arith.constant 0 : i32
      %dma_wait3A_20 = arith.constant 0 : i32
      %dma_wait3A_21 = tpu.memref_slice %arg4[%add3A, %dma_wait3A, %dma_wait3A_20] : memref<32x79x128xi32, #tpu.memory_space<hbm>> -> memref<1x79x128xi32, #tpu.memory_space<hbm>>
      %dma_wait3A_22 = tpu.memref_squeeze %dma_wait3A_21 : memref<1x79x128xi32, #tpu.memory_space<hbm>> -> memref<79x128xi32, #tpu.memory_space<hbm>>
      %dma_wait3A_23 = arith.constant 0 : i32
      %dma_wait3A_24 = arith.constant 0 : i32
      %dma_wait3A_25 = tpu.memref_slice %arg4[%add3A, %dma_wait3A_23, %dma_wait3A_24] : memref<32x79x128xi32, #tpu.memory_space<hbm>> -> memref<1x79x128xi32, #tpu.memory_space<hbm>>
      %dma_wait3A_26 = tpu.memref_squeeze %dma_wait3A_25 : memref<1x79x128xi32, #tpu.memory_space<hbm>> -> memref<79x128xi32, #tpu.memory_space<hbm>>
      tpu.wait_dma2 semaphore(%run_scoped3A : memref<!tpu.dma_semaphore, #tpu.memory_space<semaphore_mem>>) src(%dma_wait3A_26 : memref<79x128xi32, #tpu.memory_space<hbm>>) dst(%arg8 : memref<79x128xi32, #tpu.memory_space<vmem>>)
      tpu.yield
    }) : () -> ()
    %barrier3A = arith.constant 0 : index
    tpu.barrier barrier_id(%barrier3A)
    %scan3A = arith.constant 0 : i32
    %scan3A_3 = arith.constant 0 : i32
    %scan3A_4 = arith.constant 79 : i32
    %scan3A_5 = arith.addi %scan3A_3, %scan3A_4 : i32
    %scan3A_6 = arith.constant 1 : i32
    scf.for %scan3A_13 = %scan3A_3 to %scan3A_5 step %scan3A_6  : i32 {
      %dma_start3A = arith.constant 0 : i32
      %dma_start3A_14 = tpu.memref_slice %arg7[%scan3A_13, %dma_start3A] : memref<79x128xi32, #tpu.memory_space<vmem>> -> memref<1x128xi32, #tpu.memory_space<vmem>>
      %dma_start3A_15 = tpu.memref_squeeze %dma_start3A_14 : memref<1x128xi32, #tpu.memory_space<vmem>> -> memref<128xi32, #tpu.memory_space<vmem>>
      %dma_start3A_16 = arith.constant 0 : i32
      %dma_start3A_17 = arith.constant 0 : i32
      %dma_start3A_18 = tpu.memref_slice %arg2[%dma_start3A_16, %dma_start3A_17] : memref<10000x64xf32, #tpu.memory_space<hbm>> -> memref<10000x64xf32, #tpu.memory_space<hbm>>
      tpu.enqueue_indirect_dma source(%dma_start3A_18 : memref<10000x64xf32, #tpu.memory_space<hbm>>) target(%arg9 : memref<128x64xf32, #tpu.memory_space<vmem>>) offsets(%dma_start3A_15 : memref<128xi32, #tpu.memory_space<vmem>>) semaphore(%arg11 : memref<!tpu.dma_semaphore, #tpu.memory_space<semaphore_mem>>)
      %dma_wait3A = arith.constant 0 : i32
      %dma_wait3A_19 = tpu.memref_slice %arg7[%scan3A_13, %dma_wait3A] : memref<79x128xi32, #tpu.memory_space<vmem>> -> memref<1x128xi32, #tpu.memory_space<vmem>>
      %dma_wait3A_20 = tpu.memref_squeeze %dma_wait3A_19 : memref<1x128xi32, #tpu.memory_space<vmem>> -> memref<128xi32, #tpu.memory_space<vmem>>
      %dma_wait3A_21 = arith.constant 0 : i32
      %dma_wait3A_22 = arith.constant 0 : i32
      %dma_wait3A_23 = tpu.memref_slice %arg2[%dma_wait3A_21, %dma_wait3A_22] : memref<10000x64xf32, #tpu.memory_space<hbm>> -> memref<10000x64xf32, #tpu.memory_space<hbm>>
      tpu.wait_indirect_dma semaphore(%arg11 : memref<!tpu.dma_semaphore, #tpu.memory_space<semaphore_mem>>) src(%dma_wait3A_23 : memref<10000x64xf32, #tpu.memory_space<hbm>>) dst(%arg9 : memref<128x64xf32, #tpu.memory_space<vmem>>)
      "tpu.region"() ({
        %run_scoped3A = tpu.sem_alloc : memref<!tpu.dma_semaphore, #tpu.memory_space<semaphore_mem>>
        %dma_start3A_24 = arith.constant 0 : i32
        %dma_start3A_25 = tpu.memref_slice %arg8[%scan3A_13, %dma_start3A_24] : memref<79x128xi32, #tpu.memory_space<vmem>> -> memref<1x128xi32, #tpu.memory_space<vmem>>
        %dma_start3A_26 = tpu.memref_squeeze %dma_start3A_25 : memref<1x128xi32, #tpu.memory_space<vmem>> -> memref<128xi32, #tpu.memory_space<vmem>>
        %dma_start3A_27 = arith.constant 0 : i32
        %dma_start3A_28 = arith.constant 0 : i32
        %dma_start3A_29 = tpu.memref_slice %arg10[%dma_start3A_27, %dma_start3A_28] : memref<10240x64xf32, #tpu.memory_space<vmem_shared>> -> memref<10240x64xf32, #tpu.memory_space<vmem_shared>>
        tpu.enqueue_indirect_dma source(%arg9 : memref<128x64xf32, #tpu.memory_space<vmem>>) target(%dma_start3A_29 : memref<10240x64xf32, #tpu.memory_space<vmem_shared>>) offsets(%dma_start3A_26 : memref<128xi32, #tpu.memory_space<vmem>>) semaphore(%run_scoped3A : memref<!tpu.dma_semaphore, #tpu.memory_space<semaphore_mem>>) {add = true}
        %dma_wait3A_30 = arith.constant 0 : i32
        %dma_wait3A_31 = tpu.memref_slice %arg8[%scan3A_13, %dma_wait3A_30] : memref<79x128xi32, #tpu.memory_space<vmem>> -> memref<1x128xi32, #tpu.memory_space<vmem>>
        %dma_wait3A_32 = tpu.memref_squeeze %dma_wait3A_31 : memref<1x128xi32, #tpu.memory_space<vmem>> -> memref<128xi32, #tpu.memory_space<vmem>>
        %dma_wait3A_33 = arith.constant 0 : i32
        %dma_wait3A_34 = arith.constant 0 : i32
        %dma_wait3A_35 = tpu.memref_slice %arg10[%dma_wait3A_33, %dma_wait3A_34] : memref<10240x64xf32, #tpu.memory_space<vmem_shared>> -> memref<10240x64xf32, #tpu.memory_space<vmem_shared>>
        tpu.wait_indirect_dma semaphore(%run_scoped3A : memref<!tpu.dma_semaphore, #tpu.memory_space<semaphore_mem>>) src(%arg9 : memref<128x64xf32, #tpu.memory_space<vmem>>) dst(%dma_wait3A_35 : memref<10240x64xf32, #tpu.memory_space<vmem_shared>>)
        tpu.yield
      }) : () -> ()
    }
    %scan3A_7 = arith.constant 79 : i32
    %barrier3A_8 = arith.constant 0 : index
    tpu.barrier barrier_id(%barrier3A_8)
    %mul3A_9 = arith.constant 640 : i32
    %mul3A_10 = arith.muli %arg1, %mul3A_9 : i32
    %mul3A_11 = arith.constant 640 : i32
    %mul3A_12 = arith.muli %arg1, %mul3A_11 : i32
    "tpu.region"() ({
      %run_scoped3A = tpu.sem_alloc : memref<!tpu.dma_semaphore, #tpu.memory_space<semaphore_mem>>
      %dma_start3A = arith.constant 0 : i32
      %dma_start3A_13 = tpu.memref_slice %arg6[%arg0, %mul3A_12, %dma_start3A] : memref<2x10240x64xf32, #tpu.memory_space<hbm>> -> memref<1x640x64xf32, #tpu.memory_space<hbm>>
      %dma_start3A_14 = tpu.memref_squeeze %dma_start3A_13 : memref<1x640x64xf32, #tpu.memory_space<hbm>> -> memref<640x64xf32, #tpu.memory_space<hbm>>
      %dma_start3A_15 = arith.constant 0 : i32
      %dma_start3A_16 = tpu.memref_slice %arg10[%mul3A_10, %dma_start3A_15] : memref<10240x64xf32, #tpu.memory_space<vmem_shared>> -> memref<640x64xf32, #tpu.memory_space<vmem_shared>>
      tpu.enqueue_dma source(%dma_start3A_16 : memref<640x64xf32, #tpu.memory_space<vmem_shared>>) target(%dma_start3A_14 : memref<640x64xf32, #tpu.memory_space<hbm>>) target_semaphore(%run_scoped3A : memref<!tpu.dma_semaphore, #tpu.memory_space<semaphore_mem>>)
      %dma_wait3A = arith.constant 0 : i32
      %dma_wait3A_17 = tpu.memref_slice %arg6[%arg0, %mul3A_12, %dma_wait3A] : memref<2x10240x64xf32, #tpu.memory_space<hbm>> -> memref<1x640x64xf32, #tpu.memory_space<hbm>>
      %dma_wait3A_18 = tpu.memref_squeeze %dma_wait3A_17 : memref<1x640x64xf32, #tpu.memory_space<hbm>> -> memref<640x64xf32, #tpu.memory_space<hbm>>
      %dma_wait3A_19 = arith.constant 0 : i32
      %dma_wait3A_20 = tpu.memref_slice %arg10[%mul3A_10, %dma_wait3A_19] : memref<10240x64xf32, #tpu.memory_space<vmem_shared>> -> memref<640x64xf32, #tpu.memory_space<vmem_shared>>
      tpu.wait_dma2 semaphore(%run_scoped3A : memref<!tpu.dma_semaphore, #tpu.memory_space<semaphore_mem>>) src(%dma_wait3A_20 : memref<640x64xf32, #tpu.memory_space<vmem_shared>>) dst(%dma_wait3A_18 : memref<640x64xf32, #tpu.memory_space<hbm>>)
      tpu.yield
    }) : () -> ()
    return
  }
}

module attributes {stable_mosaic.version = 14 : i64} {
  func.func @_tc_pre_body(%arg0: memref<10000x128xf32, #tpu.memory_space<vmem>>, %arg1: memref<128x64xf32, #tpu.memory_space<vmem>>, %arg2: memref<2x10240x1xf32, #tpu.memory_space<vmem>>, %arg3: memref<10000x64xf32, #tpu.memory_space<vmem>>, %arg4: memref<10000x1xf32, #tpu.memory_space<vmem>>) attributes {dimension_semantics = [], scalar_prefetch = 0 : i64, scratch_operands = 0 : i64, tpu.core_type = #tpu.core_type<tc>} {
    %get3A = arith.constant 0 : index
    %get3A_0 = arith.constant 0 : index
    %get3A_1 = arith.constant 0 : index
    %get3A_2 = vector.load %arg2[%get3A, %get3A_0, %get3A_1] : memref<2x10240x1xf32, #tpu.memory_space<vmem>>, vector<1x10000x1xf32>
    %get3A_3 = vector.shape_cast %get3A_2 : vector<1x10000x1xf32> to vector<10000x1xf32>
    %get3A_4 = arith.constant 1 : index
    %get3A_5 = arith.constant 0 : index
    %get3A_6 = arith.constant 0 : index
    %get3A_7 = vector.load %arg2[%get3A_4, %get3A_5, %get3A_6] : memref<2x10240x1xf32, #tpu.memory_space<vmem>>, vector<1x10000x1xf32>
    %get3A_8 = vector.shape_cast %get3A_7 : vector<1x10000x1xf32> to vector<10000x1xf32>
    %add3A = arith.addf %get3A_3, %get3A_8 : vector<10000x1xf32>
    %add3A_9 = arith.constant 1.000000e+00 : f32
    %add3A_10 = vector.broadcast %add3A_9 : f32 to vector<10000x1xf32>
    %add3A_11 = arith.addf %add3A, %add3A_10 : vector<10000x1xf32>
    %rsqrt3A = math.rsqrt %add3A_11 : vector<10000x1xf32>
    %get3A_12 = arith.constant 0 : index
    %get3A_13 = arith.constant 0 : index
    %get3A_14 = vector.load %arg0[%get3A_12, %get3A_13] : memref<10000x128xf32, #tpu.memory_space<vmem>>, vector<10000x128xf32>
    %get3A_15 = arith.constant 0 : index
    %get3A_16 = arith.constant 0 : index
    %get3A_17 = vector.load %arg1[%get3A_15, %get3A_16] : memref<128x64xf32, #tpu.memory_space<vmem>>, vector<128x64xf32>
    %dot_general3A = arith.constant dense<0.000000e+00> : vector<10000x64xf32>
    %dot_general3A_18 = tpu.matmul %get3A_14, %get3A_17, %dot_general3A {dimension_numbers = #tpu.dot_dimension_numbers<[1], [0], [0], [1], [0, 0, 1, 1], [], []>, transpose_lhs_hint = false} : vector<10000x128xf32>, vector<128x64xf32>, vector<10000x64xf32> -> vector<10000x64xf32>
    %mul3A = vector.broadcast %rsqrt3A : vector<10000x1xf32> to vector<10000x64xf32>
    %mul3A_19 = arith.mulf %dot_general3A_18, %mul3A : vector<10000x64xf32>
    %swap3A = arith.constant 0 : index
    %swap3A_20 = arith.constant 0 : index
    %swap3A_21 = vector.load %arg3[%swap3A, %swap3A_20] : memref<10000x64xf32, #tpu.memory_space<vmem>>, vector<10000x64xf32>
    tpu.vector_store %arg3[%swap3A, %swap3A_20], %mul3A_19 {strides = array<i32>} : memref<10000x64xf32, #tpu.memory_space<vmem>>, vector<10000x64xf32>,
    %swap3A_22 = arith.constant 0 : index
    %swap3A_23 = arith.constant 0 : index
    %swap3A_24 = vector.load %arg4[%swap3A_22, %swap3A_23] : memref<10000x1xf32, #tpu.memory_space<vmem>>, vector<10000x1xf32>
    tpu.vector_store %arg4[%swap3A_22, %swap3A_23], %rsqrt3A {strides = array<i32>} : memref<10000x1xf32, #tpu.memory_space<vmem>>, vector<10000x1xf32>,
    return
  }
}

module attributes {stable_mosaic.version = 14 : i64} {
  func.func @_tc_mid_body(%arg0: memref<2x10240x64xf32, #tpu.memory_space<vmem>>, %arg1: memref<10000x64xf32, #tpu.memory_space<vmem>>, %arg2: memref<10000x1xf32, #tpu.memory_space<vmem>>, %arg3: memref<1x64xf32, #tpu.memory_space<vmem>>, %arg4: memref<64x64xf32, #tpu.memory_space<vmem>>, %arg5: memref<10000x64xf32, #tpu.memory_space<vmem>>) attributes {dimension_semantics = [], scalar_prefetch = 0 : i64, scratch_operands = 0 : i64, tpu.core_type = #tpu.core_type<tc>} {
    %get3A = arith.constant 0 : index
    %get3A_0 = arith.constant 0 : index
    %get3A_1 = arith.constant 0 : index
    %get3A_2 = vector.load %arg0[%get3A, %get3A_0, %get3A_1] : memref<2x10240x64xf32, #tpu.memory_space<vmem>>, vector<1x10000x64xf32>
    %get3A_3 = vector.shape_cast %get3A_2 : vector<1x10000x64xf32> to vector<10000x64xf32>
    %get3A_4 = arith.constant 1 : index
    %get3A_5 = arith.constant 0 : index
    %get3A_6 = arith.constant 0 : index
    %get3A_7 = vector.load %arg0[%get3A_4, %get3A_5, %get3A_6] : memref<2x10240x64xf32, #tpu.memory_space<vmem>>, vector<1x10000x64xf32>
    %get3A_8 = vector.shape_cast %get3A_7 : vector<1x10000x64xf32> to vector<10000x64xf32>
    %add3A = arith.addf %get3A_3, %get3A_8 : vector<10000x64xf32>
    %get3A_9 = arith.constant 0 : index
    %get3A_10 = arith.constant 0 : index
    %get3A_11 = vector.load %arg2[%get3A_9, %get3A_10] : memref<10000x1xf32, #tpu.memory_space<vmem>>, vector<10000x1xf32>
    %get3A_12 = arith.constant 0 : index
    %get3A_13 = arith.constant 0 : index
    %get3A_14 = vector.load %arg1[%get3A_12, %get3A_13] : memref<10000x64xf32, #tpu.memory_space<vmem>>, vector<10000x64xf32>
    %add3A_15 = arith.addf %add3A, %get3A_14 : vector<10000x64xf32>
    %mul3A = vector.broadcast %get3A_11 : vector<10000x1xf32> to vector<10000x64xf32>
    %mul3A_16 = arith.mulf %mul3A, %add3A_15 : vector<10000x64xf32>
    %get3A_17 = arith.constant 0 : index
    %get3A_18 = arith.constant 0 : index
    %get3A_19 = vector.load %arg3[%get3A_17, %get3A_18] : memref<1x64xf32, #tpu.memory_space<vmem>>, vector<1x64xf32>
    %add3A_20 = vector.broadcast %get3A_19 : vector<1x64xf32> to vector<10000x64xf32>
    %add3A_21 = arith.addf %mul3A_16, %add3A_20 : vector<10000x64xf32>
    %max3A = arith.constant 0.000000e+00 : f32
    %max3A_22 = vector.broadcast %max3A : f32 to vector<10000x64xf32>
    %max3A_23 = arith.maximumf %add3A_21, %max3A_22 : vector<10000x64xf32>
    %get3A_24 = arith.constant 0 : index
    %get3A_25 = arith.constant 0 : index
    %get3A_26 = vector.load %arg4[%get3A_24, %get3A_25] : memref<64x64xf32, #tpu.memory_space<vmem>>, vector<64x64xf32>
    %dot_general3A = arith.constant dense<0.000000e+00> : vector<10000x64xf32>
    %dot_general3A_27 = tpu.matmul %max3A_23, %get3A_26, %dot_general3A {dimension_numbers = #tpu.dot_dimension_numbers<[1], [0], [0], [1], [0, 0, 1, 1], [], []>, transpose_lhs_hint = false} : vector<10000x64xf32>, vector<64x64xf32>, vector<10000x64xf32> -> vector<10000x64xf32>
    %mul3A_28 = vector.broadcast %get3A_11 : vector<10000x1xf32> to vector<10000x64xf32>
    %mul3A_29 = arith.mulf %dot_general3A_27, %mul3A_28 : vector<10000x64xf32>
    %swap3A = arith.constant 0 : index
    %swap3A_30 = arith.constant 0 : index
    %swap3A_31 = vector.load %arg5[%swap3A, %swap3A_30] : memref<10000x64xf32, #tpu.memory_space<vmem>>, vector<10000x64xf32>
    tpu.vector_store %arg5[%swap3A, %swap3A_30], %mul3A_29 {strides = array<i32>} : memref<10000x64xf32, #tpu.memory_space<vmem>>, vector<10000x64xf32>,
    return
  }
}

module attributes {stable_mosaic.version = 14 : i64} {
  func.func @_tc_fin_body(%arg0: memref<2x10240x64xf32, #tpu.memory_space<vmem>>, %arg1: memref<10000x64xf32, #tpu.memory_space<vmem>>, %arg2: memref<10000x1xf32, #tpu.memory_space<vmem>>, %arg3: memref<1x64xf32, #tpu.memory_space<vmem>>, %arg4: memref<64x32xf32, #tpu.memory_space<vmem>>, %arg5: memref<1x32xf32, #tpu.memory_space<vmem>>, %arg6: memref<32x1xf32, #tpu.memory_space<vmem>>, %arg7: memref<1x1xf32, #tpu.memory_space<vmem>>, %arg8: memref<1x1xf32, #tpu.memory_space<vmem>>) attributes {dimension_semantics = [], scalar_prefetch = 0 : i64, scratch_operands = 0 : i64, tpu.core_type = #tpu.core_type<tc>} {
    %get3A = arith.constant 0 : index
    %get3A_0 = arith.constant 0 : index
    %get3A_1 = arith.constant 0 : index
    %get3A_2 = vector.load %arg0[%get3A, %get3A_0, %get3A_1] : memref<2x10240x64xf32, #tpu.memory_space<vmem>>, vector<1x10000x64xf32>
    %get3A_3 = vector.shape_cast %get3A_2 : vector<1x10000x64xf32> to vector<10000x64xf32>
    %get3A_4 = arith.constant 1 : index
    %get3A_5 = arith.constant 0 : index
    %get3A_6 = arith.constant 0 : index
    %get3A_7 = vector.load %arg0[%get3A_4, %get3A_5, %get3A_6] : memref<2x10240x64xf32, #tpu.memory_space<vmem>>, vector<1x10000x64xf32>
    %get3A_8 = vector.shape_cast %get3A_7 : vector<1x10000x64xf32> to vector<10000x64xf32>
    %add3A = arith.addf %get3A_3, %get3A_8 : vector<10000x64xf32>
    %get3A_9 = arith.constant 0 : index
    %get3A_10 = arith.constant 0 : index
    %get3A_11 = vector.load %arg2[%get3A_9, %get3A_10] : memref<10000x1xf32, #tpu.memory_space<vmem>>, vector<10000x1xf32>
    %get3A_12 = arith.constant 0 : index
    %get3A_13 = arith.constant 0 : index
    %get3A_14 = vector.load %arg1[%get3A_12, %get3A_13] : memref<10000x64xf32, #tpu.memory_space<vmem>>, vector<10000x64xf32>
    %add3A_15 = arith.addf %add3A, %get3A_14 : vector<10000x64xf32>
    %mul3A = vector.broadcast %get3A_11 : vector<10000x1xf32> to vector<10000x64xf32>
    %mul3A_16 = arith.mulf %mul3A, %add3A_15 : vector<10000x64xf32>
    %get3A_17 = arith.constant 0 : index
    %get3A_18 = arith.constant 0 : index
    %get3A_19 = vector.load %arg3[%get3A_17, %get3A_18] : memref<1x64xf32, #tpu.memory_space<vmem>>, vector<1x64xf32>
    %add3A_20 = vector.broadcast %get3A_19 : vector<1x64xf32> to vector<10000x64xf32>
    %add3A_21 = arith.addf %mul3A_16, %add3A_20 : vector<10000x64xf32>
    %max3A = arith.constant 0.000000e+00 : f32
    %max3A_22 = vector.broadcast %max3A : f32 to vector<10000x64xf32>
    %max3A_23 = arith.maximumf %add3A_21, %max3A_22 : vector<10000x64xf32>
    %reduce_sum3A = arith.constant dense<0.000000e+00> : vector<64xf32>
    %reduce_sum3A_24 = vector.multi_reduction <add>, %max3A_23, %reduce_sum3A [0] : vector<10000x64xf32> to vector<64xf32>
    %broadcast_in_dim3A = vector.shape_cast %reduce_sum3A_24 : vector<64xf32> to vector<1x64xf32>
    %div3A = arith.constant 1.000000e+04 : f32
    %div3A_25 = vector.broadcast %div3A : f32 to vector<1x64xf32>
    %div3A_26 = arith.divf %broadcast_in_dim3A, %div3A_25 : vector<1x64xf32>
    %get3A_27 = arith.constant 0 : index
    %get3A_28 = arith.constant 0 : index
    %get3A_29 = vector.load %arg4[%get3A_27, %get3A_28] : memref<64x32xf32, #tpu.memory_space<vmem>>, vector<64x32xf32>
    %dot_general3A = arith.constant dense<0.000000e+00> : vector<1x32xf32>
    %dot_general3A_30 = tpu.matmul %div3A_26, %get3A_29, %dot_general3A {dimension_numbers = #tpu.dot_dimension_numbers<[1], [0], [0], [1], [0, 0, 1, 1], [], []>, transpose_lhs_hint = false} : vector<1x64xf32>, vector<64x32xf32>, vector<1x32xf32> -> vector<1x32xf32>
    %get3A_31 = arith.constant 0 : index
    %get3A_32 = arith.constant 0 : index
    %get3A_33 = vector.load %arg5[%get3A_31, %get3A_32] : memref<1x32xf32, #tpu.memory_space<vmem>>, vector<1x32xf32>
    %add3A_34 = arith.addf %dot_general3A_30, %get3A_33 : vector<1x32xf32>
    %max3A_35 = arith.constant 0.000000e+00 : f32
    %max3A_36 = vector.broadcast %max3A_35 : f32 to vector<1x32xf32>
    %max3A_37 = arith.maximumf %add3A_34, %max3A_36 : vector<1x32xf32>
    %get3A_38 = arith.constant 0 : index
    %get3A_39 = arith.constant 0 : index
    %get3A_40 = vector.load %arg6[%get3A_38, %get3A_39] : memref<32x1xf32, #tpu.memory_space<vmem>>, vector<32x1xf32>
    %dot_general3A_41 = arith.constant dense<0.000000e+00> : vector<1x1xf32>
    %dot_general3A_42 = tpu.matmul %max3A_37, %get3A_40, %dot_general3A_41 {dimension_numbers = #tpu.dot_dimension_numbers<[1], [0], [0], [1], [0, 0, 1, 1], [], []>, transpose_lhs_hint = false} : vector<1x32xf32>, vector<32x1xf32>, vector<1x1xf32> -> vector<1x1xf32>
    %get3A_43 = arith.constant 0 : index
    %get3A_44 = arith.constant 0 : index
    %get3A_45 = vector.load %arg7[%get3A_43, %get3A_44] : memref<1x1xf32, #tpu.memory_space<vmem>>, vector<1x1xf32>
    %add3A_46 = arith.addf %dot_general3A_42, %get3A_45 : vector<1x1xf32>
    %logistic3A = arith.negf %add3A_46 : vector<1x1xf32>
    %logistic3A_47 = math.exp %logistic3A : vector<1x1xf32>
    %logistic3A_48 = arith.constant 1.000000e+00 : f32
    %logistic3A_49 = vector.broadcast %logistic3A_48 : f32 to vector<1x1xf32>
    %logistic3A_50 = arith.addf %logistic3A_49, %logistic3A_47 : vector<1x1xf32>
    %logistic3A_51 = arith.divf %logistic3A_49, %logistic3A_50 : vector<1x1xf32>
    %swap3A = arith.constant 0 : index
    %swap3A_52 = arith.constant 0 : index
    %swap3A_53 = vector.load %arg8[%swap3A, %swap3A_52] : memref<1x1xf32, #tpu.memory_space<vmem>>, vector<1x1xf32>
    tpu.vector_store %arg8[%swap3A, %swap3A_52], %logistic3A_51 {strides = array<i32>} : memref<1x1xf32, #tpu.memory_space<vmem>>, vector<1x1xf32>,
    return
  }
}

</mosaic_0001>

<sc_bundles>
// kernel: kernel.11.cloned.1.call-start
scs
__scs_entry_jumppad:
0x0: {  	(pc) =	sbr.rel $0x88, $3  }
0x1: {  	(tag) =	ssettag $0x0;
	lr =	simm.s32 $0x1  }
0x2: {  	[smem:$0x3F97] =	sst lr;
	_ =	strace $0xD0000000  }
0x3: {  	_ = 	snop  }
0x4: {  	_ = 	snop  }
0x5: {  	_ = 	snop  }
0x6: {  	_ = 	snop  }
0x7: {  	_ = 	snop  }
__scs_overlays_trampoline_lowered:
0x8: {  	[smem:$0x3FA6] =	sst s0  }
0x9: {  	[smem:$0x3FA7] =	sst s1  }
0xa: {  	[smem:$0x3FA8] =	sst s2  }
0xb: {  	[smem:$0x3FA9] =	sst s3  }
0xc: {  	[smem:$0x3FAA] =	sst s4  }
0xd: {  	[smem:$0x3FAB] =	sst s5  }
0xe: {  	[smem:$0x3FAC] =	sst s6  }
0xf: {  	[smem:$0x3FAD] =	sst s7  }
0x10: {  	[smem:$0x3FAE] =	sst s8  }
0x11: {  	[smem:$0x3FAF] =	sst s9;
	s0 =	simm.s32 @!p0 $0x0  }
0x12: {  	s1 =	sld [smem:$0x3F95];
	s0 =	simm.s32 @p0 $0x1  }
0x13: {  	[smem:$0x3FB0] =	sst s0;
	s0 =	simm.s32 @!p1 $0x0  }
0x14: {  	s2 =	sld [smem:$0x3F94];
	s0 =	simm.s32 @p1 $0x1  }
0x15: {  	[smem:$0x3FB1] =	sst s0;
	s0 =	simm.s32 @!p2 $0x0  }
0x16: {  	s3 =	sld [smem:$0x3FDB];
	s0 =	simm.s32 @p2 $0x1  }
0x17: {  	s4 =	simm.s32 $0x1BF5;
	[smem:$0x3FB3] =	sst s0  }
0x18: {  	s0 =	sld [smem:$0x3F96];
	_ =	swait.ge [sflag:s4], $0x0  }
0x19: {  	s7 =	sld [smem:$0x3F97]  }
0x1a: {  	s8 =	sadd.s32 $0xFFFFE003, lr  }
0x1b: {  	s9 =	sadd.s32 $0xFFFFFEF7, lr;
	s5 =	simm.s32 $0xFFFFFFFF;
	p2 =	slt.u32 s8, $0xFFFFF086  }
0x1c: {  	p1 =	slt.u32 s9, $0xF7A;
	s5 =	simm.s32 @!p2 $0x0  }
0x1d: {  	s5 =	simm.s32 @p1 $0x1;
	p0 =	seq.s32 s7, s2  }
0x1e: {  	s7 =	smul.u32 @!p0 $0xF7A, s2;
	p2 =	seq.s32 @!p0 s5, $0x0  }
0x1f: {  	s9 =	smul.u32 $0xF7A, s1;
	s8 =	simm.s32 @!p0 $0x1BF5;
	p2 =	por !p2, p0  }
0x20: {  	[sflag:s8] =	ssyncset.s32 @!p0 $0xFFFFF086;
	s6 =	sadd.s32 @!p0 s3, s7;
	s7 =	simm.s32 @!p0 $0x108  }
0x21: {  	s3 =	sadd.s32 s3, s9;
	s6 =	sadd.s32 @!p0 $0x88, s6;
	s7 =	simm.s32 @p2 $0x1082  }
0x22: {  	[simem:s7], [sflag:s8] =	dma.local @!p0 [hbm:s6], $0xF7A  }
0x23: {  	s9 =	sor.u32 $0xD0000000, s2;
	s6 =	simm.s32 $0x108;
	_ =	swait.ge @!p0 [sflag:s8], $0x0  }
0x24: {  	s3 =	sadd.s32 $0x88, s3;
	s6 =	simm.s32 @!p1 $0x1082;
	[sflag:s4] =	ssyncset.s32 $0xFFFFF086  }
0x25: {  	[simem:s6], [sflag:s4] =	dma.local [hbm:s3], $0xF7A  }
0x26: {  	[smem:$0x3F97] =	sst s1;
	(tag) =	ssettag s2;
	_ =	strace s9  }
0x27: {  	s1 =	sld [smem:$0x3FA7]  }
0x28: {  	s2 =	sld [smem:$0x3FA8]  }
0x29: {  	s4 =	sld [smem:$0x3FAA]  }
0x2a: {  	p0 =	seq.s32 s5, $0x0;
	s5 =	sld [smem:$0x3FAB]  }
0x2b: {  	s6 =	sld [smem:$0x3FAC]  }
0x2c: {  	s7 =	sld [smem:$0x3FAD]  }
0x2d: {  	s3 =	simm.s32 $0x108;
	s8 =	sld [smem:$0x3FAE]  }
0x2e: {  	s3 =	simm.s32 @!p0 $0x1082;
	s9 =	sld [smem:$0x3FAF]  }
0x2f: {  	lr =	sadd.s32 s0, s3;
	s0 =	sld [smem:$0x3FA6]  }
0x30: {  	s3 =	sld [smem:$0x3FA9]  }
0x31: {  	[smem:$0x3FB2] =	sst s10  }
0x32: {  	s10 =	sld [smem:$0x3FB0];
	_ =	sdelay $0x3  }
0x33: {  	p0 =	seq.s32 s10, $0x1;
	s10 =	sld [smem:$0x3FB2];
	_ =	sdelay $0x3  }
0x34: {  	[smem:$0x3FB2] =	sst s10  }
0x35: {  	s10 =	sld [smem:$0x3FB1];
	_ =	sdelay $0x3  }
0x36: {  	p1 =	seq.s32 s10, $0x1;
	s10 =	sld [smem:$0x3FB2];
	_ =	sdelay $0x3  }
0x37: {  	[smem:$0x3FB2] =	sst s10  }
0x38: {  	s10 =	sld [smem:$0x3FB3]  }
0x39: {  	_ = 	snop;
	(pc) =	sbr.ind lr, $3  }
0x3a: {  	_ = 	snop  }
0x3b: {  	_ = 	snop  }
0x3c: {  	p2 =	seq.s32 s10, $0x1;
	s10 =	sld [smem:$0x3FB2]  }
0x3d: {  	_ =	shalt  }
0x3e: {  	_ =	shalt  }
0x3f: {  	_ =	shalt  }
0x40: {  	_ =	shalt  }
0x41: {  	_ =	shalt  }
0x42: {  	_ =	shalt  }
0x43: {  	_ =	shalt  }
0x44: {  	_ =	shalt  }
0x45: {  	_ =	shalt  }
0x46: {  	_ =	shalt  }
0x47: {  	_ =	shalt  }
0x48: {  	_ =	shalt  }
0x49: {  	_ =	shalt  }
0x4a: {  	_ =	shalt  }
0x4b: {  	_ =	shalt  }
0x4c: {  	_ =	shalt  }
0x4d: {  	_ =	shalt  }
0x4e: {  	_ =	shalt  }
0x4f: {  	_ =	shalt  }
0x50: {  	_ =	shalt  }
0x51: {  	_ =	shalt  }
0x52: {  	_ =	shalt  }
0x53: {  	_ =	shalt  }
0x54: {  	_ =	shalt  }
0x55: {  	_ =	shalt  }
0x56: {  	_ =	shalt  }
0x57: {  	_ =	shalt  }
0x58: {  	_ =	shalt  }
0x59: {  	_ =	shalt  }
0x5a: {  	_ =	shalt  }
0x5b: {  	_ =	shalt  }
0x5c: {  	_ =	shalt  }
0x5d: {  	_ =	shalt  }
0x5e: {  	_ =	shalt  }
0x5f: {  	_ =	shalt  }
0x60: {  	_ =	shalt  }
0x61: {  	_ =	shalt  }
0x62: {  	_ =	shalt  }
0x63: {  	_ =	shalt  }
0x64: {  	_ =	shalt  }
0x65: {  	_ =	shalt  }
0x66: {  	_ =	shalt  }
0x67: {  	_ =	shalt  }
0x68: {  	_ =	shalt  }
0x69: {  	_ =	shalt  }
0x6a: {  	_ =	shalt  }
0x6b: {  	_ =	shalt  }
0x6c: {  	_ =	shalt  }
0x6d: {  	_ =	shalt  }
0x6e: {  	_ =	shalt  }
0x6f: {  	_ =	shalt  }
0x70: {  	_ =	shalt  }
0x71: {  	_ =	shalt  }
0x72: {  	_ =	shalt  }
0x73: {  	_ =	shalt  }
0x74: {  	_ =	shalt  }
0x75: {  	_ =	shalt  }
0x76: {  	_ =	shalt  }
0x77: {  	_ =	shalt  }
0x78: {  	_ =	shalt  }
0x79: {  	_ =	shalt  }
0x7a: {  	_ =	shalt  }
0x7b: {  	_ =	shalt  }
0x7c: {  	_ =	shalt  }
0x7d: {  	_ =	shalt  }
0x7e: {  	_ =	shalt  }
0x7f: {  	_ =	shalt  }
0x80: {  	_ =	shalt  }
0x81: {  	_ =	shalt  }
0x82: {  	_ =	shalt  }
0x83: {  	_ =	shalt  }
0x84: {  	_ =	shalt  }
0x85: {  	_ =	shalt  }
0x86: {  	_ =	shalt  }
0x87: {  	_ =	shalt  }
.Lfunc_end0:
.L_simem_size_0:
called_computation.1_lowered:
.L_overlay_start_0:
0x88: {  	s2 =	sld [smem:$0x3FD9]  }
0x89: {  	s3 =	sld [smem:$0x3FFE];
	_ =	sdelay $0x1  }
0x8a: {  	s1 =	srdreg.scid  }
0x8b: {  	s0 =	sand.u32 $0x1, s1  }
0x8c: {  	s16 =	sshll.u32 s0, $0xA;
	s2 =	sadd.s32 s3, s2  }
0x8d: {  	s2 =	sadd.s32 s2, s16  }
0x8e: {  	[smem:$0x3FBE] =	sst s2  }
0x8f: {  	_ = 	snop  }
0x90: {  	(tm) =	ssettm $0x1  }
0x91: {  	s17 =	sld [smem:$0x3FFB];
	_ =	sdelay $0x3  }
0x92: {  	_ =	strace s17  }
0x93: {  	s2 =	sld [smem:$0x3FFC];
	_ =	sdelay $0x3  }
0x94: {  	_ =	strace s2  }
0x95: {  	s2 =	sld [smem:$0x3FFD];
	_ =	sdelay $0x3  }
0x96: {  	_ =	strace s2  }
0x97: {  	_ =	strace $0x8FFFFFFF  }
0x98: {  	s18 =	sld [smem:$0x3FDB];
	_ =	sdelay $0x1  }
0x99: {  	s19 =	simm.s32 $_scs_section_size  }
0x9a: {  	s4 =	simm.s32 $_size__tile_overlayer_lowered;
	s5 =	simm.s32 $_tile_overlayer_lowered  }
0x9b: {  	s22 =	simm.s32 $0x1BFF;
	s21 =	sshll.u32 s5, $0x1;
	s2 =	sadd.s32 s19, s18  }
0x9c: {  	s6 =	simm.s32 $0x0;
	s20 =	sshll.u32 s4, $0x1;
	s4 =	sadd.s32 s21, s2  }
0x9d: {  	[timem:s6], [sflag:s22] =	dma.local [hbm:s4], s20  }
0x9e: {  	_ =	swait.ge [sflag:s22], s20  }
0x9f: {  	s3 =	ssub.s32 $0x0, s20;
	[sflag:s22] =	ssyncset.done $0x0  }
0xa0: {  	[sflag:s22] =	ssyncadd.s32 s3;
	_ =	sdelay $0x1  }
0xa1: {  	s23 =	simm.s32 $0x1B8B  }
0xa2: {  	_ =	swait.ge [sflag:s23], $0x1  }
0xa3: {  	[sflag:s23] =	ssyncset.done $0x0  }
0xa4: {  	s25 =	simm.s32 $0x1B8E;
	s24 =	sld [smem:$0x3FFE];
	[sflag:s23] =	ssyncadd.s32 $0xFFFFFFFF  }
0xa5: {  	s26 =	simm.s32 $execute0_lowered;
	[smem:$0x3FD2] =	sst s25  }
0xa6: {  	s4 =	sshll.u32 s26, $0x1;
	_ =	strace $0x80000049;
	[dreg:$0x1] =	wrdreg $0xFFFFFFFF  }
0xa7: {  	s28 =	simm.s32 $_size_execute0_lowered;
	s2 =	sadd.s32 s2, s4;
	[dreg:$0x0] =	wrdreg $0x0  }
0xa8: {  	s4 =	sshll.u32 s28, $0x1;
	[dreg:$0x2] =	wrdreg s2  }
0xa9: {  	[dreg:$0x3] =	wrdreg s4  }
0xaa: {  	[dreg:$0x4] =	wrdreg $0xC0  }
0xab: {  	_ =	task [dreg:s6], $0x5FFFF  }
0xac: {  	[dreg:$0x1] =	wrdreg $0xFFFFFFFF  }
0xad: {  	[dreg:$0x0] =	wrdreg $0x60  }
0xae: {  	[dreg:$0x2] =	wrdreg s24  }
0xaf: {  	[dreg:$0x3] =	wrdreg $0x6F000  }
0xb0: {  	[dreg:$0x4] =	wrdreg $0x9  }
0xb1: {  	_ =	task.clear_ibuf [dreg:s6], $0x5FFFF;
	_ =	strace $0x90000049  }
0xb2: {  	s29 =	simm.s32 $0x9;
	_ =	strace $0x8000004B  }
0xb3: {  	_ =	swait.ge [sflag:s29], $0x1  }
0xb4: {  	[sflag:s29] =	ssyncadd.s32 $0xFFFFFFFF  }
0xb5: {  	_ =	strace $0x9000004B  }
0xb6: {  	_ =	sfence  }
0xb7: {  	s30 =	sld [smem:$0x0];
	_ =	sdelay $0x2  }
0xb8: {  	s31 =	sshll.u32 s1, $0xD;
	s1 =	sshrl.u32 s1, $0x2  }
0xb9: {  	s3 =	sand.u32 $0x4000, s31;
	s1 =	sadd.s32 s1, s30  }
0xba: {  	s0 =	sor.u32 s3, s0;
	s1 =	sshll.u32 s1, $0x11  }
0xbb: {  	s0 =	sor.u32 s1, s0  }
0xbc: {  	s0 =	sadd.s32 $0x8F2B, s0  }
0xbd: {  	[sflag:s0] =	ssyncadd.remote.s32 $0x1  }
0xbe: {  	_ =	sfence.sel $0xFFFF  }
0xbf: {  	[dreg:$0x0] =	wrdreg $0xFFFFFFFF;
	(pc) =	sbr.abs _section_cstart, $3  }
0xc0: {  	[dreg:$0x1] =	wrdreg $0xFFFFFFFF  }
0xc1: {  	_ =	task.clear_ibuf [dreg:s6], $0x2FFFF;
	_ =	strace $0x9FFFFFFF  }
0xc2: {  	(tm) =	ssettm $0x7FFFFFFF  }
0xc3: {  	_ =	shalt  }
tec
execute0_lowered:
.L_overlay_start_1:
0x0: {  	(tag) =	ssettag $0x1  }
0x1: {  	s6 =	rddreg [dreg:$0x0]  }
0x2: {  	s2 =	rddreg [dreg:$0x1]  }
0x3: {  	s0 =	rddreg [dreg:$0x2];
	s3 =	srdreg.scid  }
0x4: {  	s1 =	stileid.u32;
	s13 =	simm.s32 $0x2780;
	s14 =	simm.s32 $0x80  }
0x5: {  	s15 =	simm.s32 $0x4F00;
	s16 =	simm.s32 $0x1;
	s17 =	simm.s32 $0x0  }
0x6: {  	s5 =	sand.u32 $0x1, s3;
	s4 =	sshll.u32 s1, $0x1;
	s7 =	smul.u32 $0xA000, s1  }
0x7: {  	s3 =	simm.s32 $0x0;
	s31 =	sshll.u32 s1, $0x6;
	s4 =	sor.u32 s5, s4  }
0x8: {  	s8 =	smul.u32 $0xA0000, s5;
	[smem:$0x7FF] =	sst s3;
	s10 =	ssub.s32 $0x2, s5  }
0x9: {  	s5 =	sadd.s32 $0xC000, s6;
	s9 =	smul.u32 $0x4F0, s4;
	_ =	strace $0x8000004A  }
0xa: {  	s4 =	sadd.s32 $0x1AE00, s6;
	s30 =	sshrl.u32 s10, $0x1;
	s8 =	sadd.s32 s7, s8  }
0xb: {  	s12 =	sadd.s32 s7, s2;
	s10 =	ssub.s32 s10, s30;
	s8 =	sshrl.u32 s8, $0x3  }
0xc: {  	s9 =	sadd.s32 s9, s6;
	s10 =	smax.u32 s10, $0x1;
	s11 =	sadd.s32 s8, s6  }
0xd: {  	s6 =	sor.u32 $0x1C02, s31;
	s7 =	sadd.s32 $0x11000, s9;
	s8 =	sadd.s32 $0x2200, s9  }
0xe: {  	s9 =	sadd.s32 $0x2E800, s11;
	s11 =	sshrl.u32 s12, $0x3;
	s12 =	simm.s32 $0x2  }
.LBB2_1:
0xf: {  	[spmem:s11], [sflag:s6] =	dma.local [hbm:s5], $0x1400  }
0x10: {  	_ =	swait.ge [sflag:s12], $0x1400  }
0x11: {  	[sflag:s12] =	ssyncset.done $0x0  }
0x12: {  	[sflag:s12] =	ssyncadd.s32 $0xFFFFEC00  }
0x13: {  	[tilespmem:s3], [sflag:$0x2] =	stream.linear.gather [hbm4b:s7+s3], $0x2780, $0x38;
	[tilespmem:$0x10F00] =	vst v63  }
0x14: {  	_ =	swait.ge [sflag:s12], $0x2780  }
0x15: {  	[sflag:s12] =	ssyncset.done $0x0  }
0x16: {  	[sflag:s12] =	ssyncadd.s32 $0xFFFFD880  }
0x17: {  	[tilespmem:s13], [sflag:$0x2] =	stream.linear.gather [hbm4b:s8+s3], $0x2780, $0x38;
	[tilespmem:$0x10F00] =	vst v63  }
0x18: {  	_ =	swait.ge [sflag:s12], $0x2780  }
0x19: {  	[sflag:s12] =	ssyncset.done $0x0  }
0x1a: {  	[sflag:s12] =	ssyncadd.s32 $0xFFFFD880  }
0x1b: {  	s18 =	simm.s32 $0x0;
	[bflag:$0x0] =	sbarrier.arrive $0xFFFF  }
0x1c: {  	[tilespmem:s15], [sflag:$0x1] =	stream.indirect.gather [hbm4b:s4+s14], $0x40, s18, s14, $0xb8;
	[tilespmem:$0x10F00] =	vst v63  }
0x1d: {  	_ =	swait.ge [sflag:s16], $0x2000  }
0x1e: {  	[sflag:s16] =	ssyncset.done $0x0  }
0x1f: {  	s31 =	simm.s32 $0x2780;
	[sflag:s16] =	ssyncadd.s32 $0xFFFFE000  }
0x20: {  	[spmem:s2] =	stream.indirect.scatter.add.f32 [tilespmem:s15], [sflag:$0x2], $0x40, s31, s14, $0xb8;
	[tilespmem:$0x10F00] =	vst v63  }
0x21: {  	_ =	swait.ge [sflag:s12], $0x2000  }
0x22: {  	s19 =	simm.s32 $0x400;
	s18 =	simm.s32 $0x200;
	[sflag:s12] =	ssyncset.done $0x0  }
.LBB2_2:
0x23: {  	s20 =	sshra.s32 s18, $0x2  }
0x24: {  	[sflag:s12] =	ssyncadd.s32 $0xFFFFE000;
	s18 =	smov.u32 s19;
	s21 =	sadd.s32 $0x200, s19  }
0x25: {  	[tilespmem:s15], [sflag:$0x1] =	stream.indirect.gather [hbm4b:s4+s14], $0x40, s20, s14, $0xb8;
	[tilespmem:$0x10F00] =	vst v63  }
0x26: {  	p0 =	sne.s32 s19, $0x9C00;
	_ =	swait.ge [sflag:s16], $0x2000  }
.Ltmp0:
0x27: {  	[sflag:s16] =	ssyncset.done $0x0;
	(pc) =	sbr.rel @p0 .LBB2_2-.Ltmp0, $4  }
0x28: {  	s19 =	sadd.s32 $0x2780, s20;
	[sflag:s16] =	ssyncadd.s32 $0xFFFFE000  }
0x29: {  	[spmem:s2] =	stream.indirect.scatter.add.f32 [tilespmem:s15], [sflag:$0x2], $0x40, s19, s14, $0xb8;
	[tilespmem:$0x10F00] =	vst v63  }
0x2a: {  	_ =	swait.ge [sflag:s12], $0x2000  }
0x2b: {  	s19 =	smov.u32 s21;
	[sflag:s12] =	ssyncset.done $0x0  }
0x2c: {  	s18 =	sshra.s32 s18, $0x2;
	[sflag:s12] =	ssyncadd.s32 $0xFFFFE000  }
0x2d: {  	[tilespmem:s15], [sflag:$0x1] =	stream.indirect.gather [hbm4b:s4+s14], $0x40, s18, s14, $0xb8;
	[tilespmem:$0x10F00] =	vst v63  }
0x2e: {  	_ =	swait.ge [sflag:s16], $0x2000  }
0x2f: {  	[sflag:s16] =	ssyncset.done $0x0  }
0x30: {  	s18 =	sadd.s32 $0x2780, s18;
	[sflag:s16] =	ssyncadd.s32 $0xFFFFE000  }
0x31: {  	[spmem:s2] =	stream.indirect.scatter.add.f32 [tilespmem:s15], [sflag:$0x2], $0x40, s18, s14, $0xb8;
	[tilespmem:$0x10F00] =	vst v63  }
0x32: {  	_ =	swait.ge [sflag:s12], $0x2000  }
0x33: {  	s17 =	sadd.s32 $0x1, s17;
	[sflag:s12] =	ssyncset.done $0x0  }
0x34: {  	p0 =	sne.s32 s17, s10;
	[sflag:s12] =	ssyncadd.s32 $0xFFFFE000  }
.Ltmp1:
0x35: {  	[bflag:$0x0] =	sbarrier.arrive $0xFFFF;
	(pc) =	sbr.rel @p0 .LBB2_1-.Ltmp1, $4  }
0x36: {  	[hbm:s9], [sflag:s6] =	dma.local [spmem:s11], $0x1400  }
0x37: {  	_ =	swait.ge [sflag:s12], $0x1400  }
0x38: {  	[sflag:s12] =	ssyncset.done $0x0  }
0x39: {  	[sflag:s12] =	ssyncadd.s32 $0xFFFFEC00  }
0x3a: {  	_ =	sfence.sel $0x180000  }
0x3b: {  	[bflag:$0x0] =	sbarrier.arrive $0xFFFF  }
0x3c: {  	p0 =	sne.s32 s1, $0x0;
	_ =	strace $0x9000004A  }
0x3d: {  	s0 =	sadd.s32 @!p0 $0x100000, s0;
	[bflag:$0x2] =	sbarrier.arrive $0xFFFF  }
0x3e: {  	[sflag:s0] =	ssyncadd.tile.s32 @!p0 $0x1;
	_ =	shalt  }
.Lfunc_end2:
_tile_overlayer_lowered:
.L_overlay_start_2:
0x3f: {  	(tag) =	ssettag $0x2  }
0x40: {  	s0 =	rddreg [dreg:$0x0];
	s2 =	stileid.u32  }
0x41: {  	s1 =	rddreg [dreg:$0x1];
	p0 =	sne.s32 s2, $0x0  }
0x42: {  	s3 =	rddreg [dreg:$0x2];
	[bflag:$0x3] =	sbarrier.arrive $0xFFFF;
	s2 =	simm.s32 @!p0 $0x1C02  }
0x43: {  	[timem:s3], [sflag:s2] =	dma.local @!p0 [hbm:s0], s1  }
0x44: {  	s0 =	simm.s32 @!p0 $0x2  }
0x45: {  	_ =	swait.ge @!p0 [sflag:s0], s1  }
0x46: {  	s1 =	ssub.s32 @!p0 $0x0, s1;
	[sflag:s0] =	ssyncset.done @!p0 $0x0  }
0x47: {  	[sflag:s0] =	ssyncadd.s32 @!p0 s1  }
0x48: {  	[bflag:$0x3] =	sbarrier.arrive $0xFFFF  }
0x49: {  	_ =	shalt  }

// kernel: kernel.14.cloned.1.call-start
scs
__scs_entry_jumppad:
0x0: {  	(pc) =	sbr.rel $0x88, $3  }
0x1: {  	(tag) =	ssettag $0x0;
	lr =	simm.s32 $0x1  }
0x2: {  	[smem:$0x3F97] =	sst lr;
	_ =	strace $0xD0000000  }
0x3: {  	_ = 	snop  }
0x4: {  	_ = 	snop  }
0x5: {  	_ = 	snop  }
0x6: {  	_ = 	snop  }
0x7: {  	_ = 	snop  }
__scs_overlays_trampoline_lowered:
0x8: {  	[smem:$0x3FA6] =	sst s0  }
0x9: {  	[smem:$0x3FA7] =	sst s1  }
0xa: {  	[smem:$0x3FA8] =	sst s2  }
0xb: {  	[smem:$0x3FA9] =	sst s3  }
0xc: {  	[smem:$0x3FAA] =	sst s4  }
0xd: {  	[smem:$0x3FAB] =	sst s5  }
0xe: {  	[smem:$0x3FAC] =	sst s6  }
0xf: {  	[smem:$0x3FAD] =	sst s7  }
0x10: {  	[smem:$0x3FAE] =	sst s8  }
0x11: {  	[smem:$0x3FAF] =	sst s9;
	s0 =	simm.s32 @!p0 $0x0  }
0x12: {  	s1 =	sld [smem:$0x3F95];
	s0 =	simm.s32 @p0 $0x1  }
0x13: {  	[smem:$0x3FB0] =	sst s0;
	s0 =	simm.s32 @!p1 $0x0  }
0x14: {  	s2 =	sld [smem:$0x3F94];
	s0 =	simm.s32 @p1 $0x1  }
0x15: {  	[smem:$0x3FB1] =	sst s0;
	s0 =	simm.s32 @!p2 $0x0  }
0x16: {  	s3 =	sld [smem:$0x3FDB];
	s0 =	simm.s32 @p2 $0x1  }
0x17: {  	s4 =	simm.s32 $0x1BF5;
	[smem:$0x3FB3] =	sst s0  }
0x18: {  	s0 =	sld [smem:$0x3F96];
	_ =	swait.ge [sflag:s4], $0x0  }
0x19: {  	s7 =	sld [smem:$0x3F97]  }
0x1a: {  	s8 =	sadd.s32 $0xFFFFE003, lr  }
0x1b: {  	s9 =	sadd.s32 $0xFFFFFEF7, lr;
	s5 =	simm.s32 $0xFFFFFFFF;
	p2 =	slt.u32 s8, $0xFFFFF086  }
0x1c: {  	p1 =	slt.u32 s9, $0xF7A;
	s5 =	simm.s32 @!p2 $0x0  }
0x1d: {  	s5 =	simm.s32 @p1 $0x1;
	p0 =	seq.s32 s7, s2  }
0x1e: {  	s7 =	smul.u32 @!p0 $0xF7A, s2;
	p2 =	seq.s32 @!p0 s5, $0x0  }
0x1f: {  	s9 =	smul.u32 $0xF7A, s1;
	s8 =	simm.s32 @!p0 $0x1BF5;
	p2 =	por !p2, p0  }
0x20: {  	[sflag:s8] =	ssyncset.s32 @!p0 $0xFFFFF086;
	s6 =	sadd.s32 @!p0 s3, s7;
	s7 =	simm.s32 @!p0 $0x108  }
0x21: {  	s3 =	sadd.s32 s3, s9;
	s6 =	sadd.s32 @!p0 $0x88, s6;
	s7 =	simm.s32 @p2 $0x1082  }
0x22: {  	[simem:s7], [sflag:s8] =	dma.local @!p0 [hbm:s6], $0xF7A  }
0x23: {  	s9 =	sor.u32 $0xD0000000, s2;
	s6 =	simm.s32 $0x108;
	_ =	swait.ge @!p0 [sflag:s8], $0x0  }
0x24: {  	s3 =	sadd.s32 $0x88, s3;
	s6 =	simm.s32 @!p1 $0x1082;
	[sflag:s4] =	ssyncset.s32 $0xFFFFF086  }
0x25: {  	[simem:s6], [sflag:s4] =	dma.local [hbm:s3], $0xF7A  }
0x26: {  	[smem:$0x3F97] =	sst s1;
	(tag) =	ssettag s2;
	_ =	strace s9  }
0x27: {  	s1 =	sld [smem:$0x3FA7]  }
0x28: {  	s2 =	sld [smem:$0x3FA8]  }
0x29: {  	s4 =	sld [smem:$0x3FAA]  }
0x2a: {  	p0 =	seq.s32 s5, $0x0;
	s5 =	sld [smem:$0x3FAB]  }
0x2b: {  	s6 =	sld [smem:$0x3FAC]  }
0x2c: {  	s7 =	sld [smem:$0x3FAD]  }
0x2d: {  	s3 =	simm.s32 $0x108;
	s8 =	sld [smem:$0x3FAE]  }
0x2e: {  	s3 =	simm.s32 @!p0 $0x1082;
	s9 =	sld [smem:$0x3FAF]  }
0x2f: {  	lr =	sadd.s32 s0, s3;
	s0 =	sld [smem:$0x3FA6]  }
0x30: {  	s3 =	sld [smem:$0x3FA9]  }
0x31: {  	[smem:$0x3FB2] =	sst s10  }
0x32: {  	s10 =	sld [smem:$0x3FB0];
	_ =	sdelay $0x3  }
0x33: {  	p0 =	seq.s32 s10, $0x1;
	s10 =	sld [smem:$0x3FB2];
	_ =	sdelay $0x3  }
0x34: {  	[smem:$0x3FB2] =	sst s10  }
0x35: {  	s10 =	sld [smem:$0x3FB1];
	_ =	sdelay $0x3  }
0x36: {  	p1 =	seq.s32 s10, $0x1;
	s10 =	sld [smem:$0x3FB2];
	_ =	sdelay $0x3  }
0x37: {  	[smem:$0x3FB2] =	sst s10  }
0x38: {  	s10 =	sld [smem:$0x3FB3]  }
0x39: {  	_ = 	snop;
	(pc) =	sbr.ind lr, $3  }
0x3a: {  	_ = 	snop  }
0x3b: {  	_ = 	snop  }
0x3c: {  	p2 =	seq.s32 s10, $0x1;
	s10 =	sld [smem:$0x3FB2]  }
0x3d: {  	_ =	shalt  }
0x3e: {  	_ =	shalt  }
0x3f: {  	_ =	shalt  }
0x40: {  	_ =	shalt  }
0x41: {  	_ =	shalt  }
0x42: {  	_ =	shalt  }
0x43: {  	_ =	shalt  }
0x44: {  	_ =	shalt  }
0x45: {  	_ =	shalt  }
0x46: {  	_ =	shalt  }
0x47: {  	_ =	shalt  }
0x48: {  	_ =	shalt  }
0x49: {  	_ =	shalt  }
0x4a: {  	_ =	shalt  }
0x4b: {  	_ =	shalt  }
0x4c: {  	_ =	shalt  }
0x4d: {  	_ =	shalt  }
0x4e: {  	_ =	shalt  }
0x4f: {  	_ =	shalt  }
0x50: {  	_ =	shalt  }
0x51: {  	_ =	shalt  }
0x52: {  	_ =	shalt  }
0x53: {  	_ =	shalt  }
0x54: {  	_ =	shalt  }
0x55: {  	_ =	shalt  }
0x56: {  	_ =	shalt  }
0x57: {  	_ =	shalt  }
0x58: {  	_ =	shalt  }
0x59: {  	_ =	shalt  }
0x5a: {  	_ =	shalt  }
0x5b: {  	_ =	shalt  }
0x5c: {  	_ =	shalt  }
0x5d: {  	_ =	shalt  }
0x5e: {  	_ =	shalt  }
0x5f: {  	_ =	shalt  }
0x60: {  	_ =	shalt  }
0x61: {  	_ =	shalt  }
0x62: {  	_ =	shalt  }
0x63: {  	_ =	shalt  }
0x64: {  	_ =	shalt  }
0x65: {  	_ =	shalt  }
0x66: {  	_ =	shalt  }
0x67: {  	_ =	shalt  }
0x68: {  	_ =	shalt  }
0x69: {  	_ =	shalt  }
0x6a: {  	_ =	shalt  }
0x6b: {  	_ =	shalt  }
0x6c: {  	_ =	shalt  }
0x6d: {  	_ =	shalt  }
0x6e: {  	_ =	shalt  }
0x6f: {  	_ =	shalt  }
0x70: {  	_ =	shalt  }
0x71: {  	_ =	shalt  }
0x72: {  	_ =	shalt  }
0x73: {  	_ =	shalt  }
0x74: {  	_ =	shalt  }
0x75: {  	_ =	shalt  }
0x76: {  	_ =	shalt  }
0x77: {  	_ =	shalt  }
0x78: {  	_ =	shalt  }
0x79: {  	_ =	shalt  }
0x7a: {  	_ =	shalt  }
0x7b: {  	_ =	shalt  }
0x7c: {  	_ =	shalt  }
0x7d: {  	_ =	shalt  }
0x7e: {  	_ =	shalt  }
0x7f: {  	_ =	shalt  }
0x80: {  	_ =	shalt  }
0x81: {  	_ =	shalt  }
0x82: {  	_ =	shalt  }
0x83: {  	_ =	shalt  }
0x84: {  	_ =	shalt  }
0x85: {  	_ =	shalt  }
0x86: {  	_ =	shalt  }
0x87: {  	_ =	shalt  }
.Lfunc_end0:
.L_simem_size_0:
called_computation.2_lowered:
.L_overlay_start_0:
0x88: {  	s2 =	sld [smem:$0x3FD9]  }
0x89: {  	s3 =	sld [smem:$0x3FFE];
	_ =	sdelay $0x1  }
0x8a: {  	s1 =	srdreg.scid  }
0x8b: {  	s0 =	sand.u32 $0x1, s1  }
0x8c: {  	s16 =	sshll.u32 s0, $0xA;
	s2 =	sadd.s32 s3, s2  }
0x8d: {  	s2 =	sadd.s32 s2, s16  }
0x8e: {  	[smem:$0x3FBE] =	sst s2  }
0x8f: {  	_ = 	snop  }
0x90: {  	(tm) =	ssettm $0x1  }
0x91: {  	s17 =	sld [smem:$0x3FFB];
	_ =	sdelay $0x3  }
0x92: {  	_ =	strace s17  }
0x93: {  	s2 =	sld [smem:$0x3FFC];
	_ =	sdelay $0x3  }
0x94: {  	_ =	strace s2  }
0x95: {  	s2 =	sld [smem:$0x3FFD];
	_ =	sdelay $0x3  }
0x96: {  	_ =	strace s2  }
0x97: {  	_ =	strace $0x8FFFFFFF  }
0x98: {  	s18 =	sld [smem:$0x3FDB];
	_ =	sdelay $0x1  }
0x99: {  	s19 =	simm.s32 $_scs_section_size  }
0x9a: {  	s4 =	simm.s32 $_size__tile_overlayer_lowered;
	s5 =	simm.s32 $_tile_overlayer_lowered  }
0x9b: {  	s22 =	simm.s32 $0x1BFF;
	s21 =	sshll.u32 s5, $0x1;
	s2 =	sadd.s32 s19, s18  }
0x9c: {  	s6 =	simm.s32 $0x0;
	s20 =	sshll.u32 s4, $0x1;
	s4 =	sadd.s32 s21, s2  }
0x9d: {  	[timem:s6], [sflag:s22] =	dma.local [hbm:s4], s20  }
0x9e: {  	_ =	swait.ge [sflag:s22], s20  }
0x9f: {  	s3 =	ssub.s32 $0x0, s20;
	[sflag:s22] =	ssyncset.done $0x0  }
0xa0: {  	[sflag:s22] =	ssyncadd.s32 s3;
	_ =	sdelay $0x1  }
0xa1: {  	s23 =	simm.s32 $0x1B8B  }
0xa2: {  	_ =	swait.ge [sflag:s23], $0x1  }
0xa3: {  	[sflag:s23] =	ssyncset.done $0x0  }
0xa4: {  	s25 =	simm.s32 $0x1B8E;
	s24 =	sld [smem:$0x3FFE];
	[sflag:s23] =	ssyncadd.s32 $0xFFFFFFFF  }
0xa5: {  	s26 =	simm.s32 $execute0_lowered;
	[smem:$0x3FD2] =	sst s25  }
0xa6: {  	s4 =	sshll.u32 s26, $0x1;
	_ =	strace $0x8000004C;
	[dreg:$0x1] =	wrdreg $0xFFFFFFFF  }
0xa7: {  	s28 =	simm.s32 $_size_execute0_lowered;
	s2 =	sadd.s32 s2, s4;
	[dreg:$0x0] =	wrdreg $0x0  }
0xa8: {  	s4 =	sshll.u32 s28, $0x1;
	[dreg:$0x2] =	wrdreg s2  }
0xa9: {  	[dreg:$0x3] =	wrdreg s4  }
0xaa: {  	[dreg:$0x4] =	wrdreg $0xC0  }
0xab: {  	_ =	task [dreg:s6], $0x5FFFF  }
0xac: {  	[dreg:$0x1] =	wrdreg $0xFFFFFFFF  }
0xad: {  	[dreg:$0x0] =	wrdreg $0x60  }
0xae: {  	[dreg:$0x2] =	wrdreg s24  }
0xaf: {  	[dreg:$0x3] =	wrdreg $0x6F000  }
0xb0: {  	[dreg:$0x4] =	wrdreg $0x9  }
0xb1: {  	_ =	task.clear_ibuf [dreg:s6], $0x5FFFF;
	_ =	strace $0x9000004C  }
0xb2: {  	s29 =	simm.s32 $0x9;
	_ =	strace $0x8000004E  }
0xb3: {  	_ =	swait.ge [sflag:s29], $0x1  }
0xb4: {  	[sflag:s29] =	ssyncadd.s32 $0xFFFFFFFF  }
0xb5: {  	_ =	strace $0x9000004E  }
0xb6: {  	_ =	sfence  }
0xb7: {  	s30 =	sld [smem:$0x0];
	_ =	sdelay $0x2  }
0xb8: {  	s31 =	sshll.u32 s1, $0xD;
	s1 =	sshrl.u32 s1, $0x2  }
0xb9: {  	s3 =	sand.u32 $0x4000, s31;
	s1 =	sadd.s32 s1, s30  }
0xba: {  	s0 =	sor.u32 s3, s0;
	s1 =	sshll.u32 s1, $0x11  }
0xbb: {  	s0 =	sor.u32 s1, s0  }
0xbc: {  	s0 =	sadd.s32 $0x8F2B, s0  }
0xbd: {  	[sflag:s0] =	ssyncadd.remote.s32 $0x1  }
0xbe: {  	_ =	sfence.sel $0xFFFF  }
0xbf: {  	[dreg:$0x0] =	wrdreg $0xFFFFFFFF;
	(pc) =	sbr.abs _section_cstart, $3  }
0xc0: {  	[dreg:$0x1] =	wrdreg $0xFFFFFFFF  }
0xc1: {  	_ =	task.clear_ibuf [dreg:s6], $0x2FFFF;
	_ =	strace $0x9FFFFFFF  }
0xc2: {  	(tm) =	ssettm $0x7FFFFFFF  }
0xc3: {  	_ =	shalt  }
tec
execute0_lowered:
.L_overlay_start_1:
0x0: {  	(tag) =	ssettag $0x1  }
0x1: {  	s6 =	rddreg [dreg:$0x0]  }
0x2: {  	s2 =	rddreg [dreg:$0x1]  }
0x3: {  	s0 =	rddreg [dreg:$0x2];
	s3 =	srdreg.scid  }
0x4: {  	s1 =	stileid.u32;
	s13 =	simm.s32 $0x2780;
	s14 =	simm.s32 $0x80  }
0x5: {  	s15 =	simm.s32 $0x4F00;
	s16 =	simm.s32 $0x1;
	s17 =	simm.s32 $0x0  }
0x6: {  	s5 =	sand.u32 $0x1, s3;
	s4 =	sshll.u32 s1, $0x1;
	s7 =	smul.u32 $0xA000, s1  }
0x7: {  	s3 =	simm.s32 $0x0;
	s31 =	sshll.u32 s1, $0x6;
	s4 =	sor.u32 s5, s4  }
0x8: {  	s8 =	smul.u32 $0xA0000, s5;
	[smem:$0x7FF] =	sst s3;
	s10 =	ssub.s32 $0x2, s5  }
0x9: {  	s5 =	sadd.s32 $0xC000, s6;
	s9 =	smul.u32 $0x4F0, s4;
	_ =	strace $0x8000004D  }
0xa: {  	s4 =	sadd.s32 $0x1AE00, s6;
	s30 =	sshrl.u32 s10, $0x1;
	s8 =	sadd.s32 s7, s8  }
0xb: {  	s12 =	sadd.s32 s7, s2;
	s10 =	ssub.s32 s10, s30;
	s8 =	sshrl.u32 s8, $0x3  }
0xc: {  	s9 =	sadd.s32 s9, s6;
	s10 =	smax.u32 s10, $0x1;
	s11 =	sadd.s32 s8, s6  }
0xd: {  	s6 =	sor.u32 $0x1C02, s31;
	s7 =	sadd.s32 $0x11000, s9;
	s8 =	sadd.s32 $0x2200, s9  }
0xe: {  	s9 =	sadd.s32 $0x2E800, s11;
	s11 =	sshrl.u32 s12, $0x3;
	s12 =	simm.s32 $0x2  }
.LBB2_1:
0xf: {  	[spmem:s11], [sflag:s6] =	dma.local [hbm:s5], $0x1400  }
0x10: {  	_ =	swait.ge [sflag:s12], $0x1400  }
0x11: {  	[sflag:s12] =	ssyncset.done $0x0  }
0x12: {  	[sflag:s12] =	ssyncadd.s32 $0xFFFFEC00  }
0x13: {  	[tilespmem:s3], [sflag:$0x2] =	stream.linear.gather [hbm4b:s7+s3], $0x2780, $0x38;
	[tilespmem:$0x10F00] =	vst v63  }
0x14: {  	_ =	swait.ge [sflag:s12], $0x2780  }
0x15: {  	[sflag:s12] =	ssyncset.done $0x0  }
0x16: {  	[sflag:s12] =	ssyncadd.s32 $0xFFFFD880  }
0x17: {  	[tilespmem:s13], [sflag:$0x2] =	stream.linear.gather [hbm4b:s8+s3], $0x2780, $0x38;
	[tilespmem:$0x10F00] =	vst v63  }
0x18: {  	_ =	swait.ge [sflag:s12], $0x2780  }
0x19: {  	[sflag:s12] =	ssyncset.done $0x0  }
0x1a: {  	[sflag:s12] =	ssyncadd.s32 $0xFFFFD880  }
0x1b: {  	s18 =	simm.s32 $0x0;
	[bflag:$0x0] =	sbarrier.arrive $0xFFFF  }
0x1c: {  	[tilespmem:s15], [sflag:$0x1] =	stream.indirect.gather [hbm4b:s4+s14], $0x40, s18, s14, $0xb8;
	[tilespmem:$0x10F00] =	vst v63  }
0x1d: {  	_ =	swait.ge [sflag:s16], $0x2000  }
0x1e: {  	[sflag:s16] =	ssyncset.done $0x0  }
0x1f: {  	s31 =	simm.s32 $0x2780;
	[sflag:s16] =	ssyncadd.s32 $0xFFFFE000  }
0x20: {  	[spmem:s2] =	stream.indirect.scatter.add.f32 [tilespmem:s15], [sflag:$0x2], $0x40, s31, s14, $0xb8;
	[tilespmem:$0x10F00] =	vst v63  }
0x21: {  	_ =	swait.ge [sflag:s12], $0x2000  }
0x22: {  	s19 =	simm.s32 $0x400;
	s18 =	simm.s32 $0x200;
	[sflag:s12] =	ssyncset.done $0x0  }
.LBB2_2:
0x23: {  	s20 =	sshra.s32 s18, $0x2  }
0x24: {  	[sflag:s12] =	ssyncadd.s32 $0xFFFFE000;
	s18 =	smov.u32 s19;
	s21 =	sadd.s32 $0x200, s19  }
0x25: {  	[tilespmem:s15], [sflag:$0x1] =	stream.indirect.gather [hbm4b:s4+s14], $0x40, s20, s14, $0xb8;
	[tilespmem:$0x10F00] =	vst v63  }
0x26: {  	p0 =	sne.s32 s19, $0x9C00;
	_ =	swait.ge [sflag:s16], $0x2000  }
.Ltmp0:
0x27: {  	[sflag:s16] =	ssyncset.done $0x0;
	(pc) =	sbr.rel @p0 .LBB2_2-.Ltmp0, $4  }
0x28: {  	s19 =	sadd.s32 $0x2780, s20;
	[sflag:s16] =	ssyncadd.s32 $0xFFFFE000  }
0x29: {  	[spmem:s2] =	stream.indirect.scatter.add.f32 [tilespmem:s15], [sflag:$0x2], $0x40, s19, s14, $0xb8;
	[tilespmem:$0x10F00] =	vst v63  }
0x2a: {  	_ =	swait.ge [sflag:s12], $0x2000  }
0x2b: {  	s19 =	smov.u32 s21;
	[sflag:s12] =	ssyncset.done $0x0  }
0x2c: {  	s18 =	sshra.s32 s18, $0x2;
	[sflag:s12] =	ssyncadd.s32 $0xFFFFE000  }
0x2d: {  	[tilespmem:s15], [sflag:$0x1] =	stream.indirect.gather [hbm4b:s4+s14], $0x40, s18, s14, $0xb8;
	[tilespmem:$0x10F00] =	vst v63  }
0x2e: {  	_ =	swait.ge [sflag:s16], $0x2000  }
0x2f: {  	[sflag:s16] =	ssyncset.done $0x0  }
0x30: {  	s18 =	sadd.s32 $0x2780, s18;
	[sflag:s16] =	ssyncadd.s32 $0xFFFFE000  }
0x31: {  	[spmem:s2] =	stream.indirect.scatter.add.f32 [tilespmem:s15], [sflag:$0x2], $0x40, s18, s14, $0xb8;
	[tilespmem:$0x10F00] =	vst v63  }
0x32: {  	_ =	swait.ge [sflag:s12], $0x2000  }
0x33: {  	s17 =	sadd.s32 $0x1, s17;
	[sflag:s12] =	ssyncset.done $0x0  }
0x34: {  	p0 =	sne.s32 s17, s10;
	[sflag:s12] =	ssyncadd.s32 $0xFFFFE000  }
.Ltmp1:
0x35: {  	[bflag:$0x0] =	sbarrier.arrive $0xFFFF;
	(pc) =	sbr.rel @p0 .LBB2_1-.Ltmp1, $4  }
0x36: {  	[hbm:s9], [sflag:s6] =	dma.local [spmem:s11], $0x1400  }
0x37: {  	_ =	swait.ge [sflag:s12], $0x1400  }
0x38: {  	[sflag:s12] =	ssyncset.done $0x0  }
0x39: {  	[sflag:s12] =	ssyncadd.s32 $0xFFFFEC00  }
0x3a: {  	_ =	sfence.sel $0x180000  }
0x3b: {  	[bflag:$0x0] =	sbarrier.arrive $0xFFFF  }
0x3c: {  	p0 =	sne.s32 s1, $0x0;
	_ =	strace $0x9000004D  }
0x3d: {  	s0 =	sadd.s32 @!p0 $0x100000, s0;
	[bflag:$0x2] =	sbarrier.arrive $0xFFFF  }
0x3e: {  	[sflag:s0] =	ssyncadd.tile.s32 @!p0 $0x1;
	_ =	shalt  }
.Lfunc_end2:
_tile_overlayer_lowered:
.L_overlay_start_2:
0x3f: {  	(tag) =	ssettag $0x2  }
0x40: {  	s0 =	rddreg [dreg:$0x0];
	s2 =	stileid.u32  }
0x41: {  	s1 =	rddreg [dreg:$0x1];
	p0 =	sne.s32 s2, $0x0  }
0x42: {  	s3 =	rddreg [dreg:$0x2];
	[bflag:$0x3] =	sbarrier.arrive $0xFFFF;
	s2 =	simm.s32 @!p0 $0x1C02  }
0x43: {  	[timem:s3], [sflag:s2] =	dma.local @!p0 [hbm:s0], s1  }
0x44: {  	s0 =	simm.s32 @!p0 $0x2  }
0x45: {  	_ =	swait.ge @!p0 [sflag:s0], s1  }
0x46: {  	s1 =	ssub.s32 @!p0 $0x0, s1;
	[sflag:s0] =	ssyncset.done @!p0 $0x0  }
0x47: {  	[sflag:s0] =	ssyncadd.s32 @!p0 s1  }
0x48: {  	[bflag:$0x3] =	sbarrier.arrive $0xFFFF  }
0x49: {  	_ =	shalt  }

// kernel: kernel.8.cloned.1.call-start
scs
__scs_entry_jumppad:
0x0: {  	(pc) =	sbr.rel $0x88, $3  }
0x1: {  	(tag) =	ssettag $0x0;
	lr =	simm.s32 $0x1  }
0x2: {  	[smem:$0x3F97] =	sst lr;
	_ =	strace $0xD0000000  }
0x3: {  	_ = 	snop  }
0x4: {  	_ = 	snop  }
0x5: {  	_ = 	snop  }
0x6: {  	_ = 	snop  }
0x7: {  	_ = 	snop  }
__scs_overlays_trampoline_lowered:
0x8: {  	[smem:$0x3FA6] =	sst s0  }
0x9: {  	[smem:$0x3FA7] =	sst s1  }
0xa: {  	[smem:$0x3FA8] =	sst s2  }
0xb: {  	[smem:$0x3FA9] =	sst s3  }
0xc: {  	[smem:$0x3FAA] =	sst s4  }
0xd: {  	[smem:$0x3FAB] =	sst s5  }
0xe: {  	[smem:$0x3FAC] =	sst s6  }
0xf: {  	[smem:$0x3FAD] =	sst s7  }
0x10: {  	[smem:$0x3FAE] =	sst s8  }
0x11: {  	[smem:$0x3FAF] =	sst s9;
	s0 =	simm.s32 @!p0 $0x0  }
0x12: {  	s1 =	sld [smem:$0x3F95];
	s0 =	simm.s32 @p0 $0x1  }
0x13: {  	[smem:$0x3FB0] =	sst s0;
	s0 =	simm.s32 @!p1 $0x0  }
0x14: {  	s2 =	sld [smem:$0x3F94];
	s0 =	simm.s32 @p1 $0x1  }
0x15: {  	[smem:$0x3FB1] =	sst s0;
	s0 =	simm.s32 @!p2 $0x0  }
0x16: {  	s3 =	sld [smem:$0x3FDB];
	s0 =	simm.s32 @p2 $0x1  }
0x17: {  	s4 =	simm.s32 $0x1BF5;
	[smem:$0x3FB3] =	sst s0  }
0x18: {  	s0 =	sld [smem:$0x3F96];
	_ =	swait.ge [sflag:s4], $0x0  }
0x19: {  	s7 =	sld [smem:$0x3F97]  }
0x1a: {  	s8 =	sadd.s32 $0xFFFFE003, lr  }
0x1b: {  	s9 =	sadd.s32 $0xFFFFFEF7, lr;
	s5 =	simm.s32 $0xFFFFFFFF;
	p2 =	slt.u32 s8, $0xFFFFF086  }
0x1c: {  	p1 =	slt.u32 s9, $0xF7A;
	s5 =	simm.s32 @!p2 $0x0  }
0x1d: {  	s5 =	simm.s32 @p1 $0x1;
	p0 =	seq.s32 s7, s2  }
0x1e: {  	s7 =	smul.u32 @!p0 $0xF7A, s2;
	p2 =	seq.s32 @!p0 s5, $0x0  }
0x1f: {  	s9 =	smul.u32 $0xF7A, s1;
	s8 =	simm.s32 @!p0 $0x1BF5;
	p2 =	por !p2, p0  }
0x20: {  	[sflag:s8] =	ssyncset.s32 @!p0 $0xFFFFF086;
	s6 =	sadd.s32 @!p0 s3, s7;
	s7 =	simm.s32 @!p0 $0x108  }
0x21: {  	s3 =	sadd.s32 s3, s9;
	s6 =	sadd.s32 @!p0 $0x88, s6;
	s7 =	simm.s32 @p2 $0x1082  }
0x22: {  	[simem:s7], [sflag:s8] =	dma.local @!p0 [hbm:s6], $0xF7A  }
0x23: {  	s9 =	sor.u32 $0xD0000000, s2;
	s6 =	simm.s32 $0x108;
	_ =	swait.ge @!p0 [sflag:s8], $0x0  }
0x24: {  	s3 =	sadd.s32 $0x88, s3;
	s6 =	simm.s32 @!p1 $0x1082;
	[sflag:s4] =	ssyncset.s32 $0xFFFFF086  }
0x25: {  	[simem:s6], [sflag:s4] =	dma.local [hbm:s3], $0xF7A  }
0x26: {  	[smem:$0x3F97] =	sst s1;
	(tag) =	ssettag s2;
	_ =	strace s9  }
0x27: {  	s1 =	sld [smem:$0x3FA7]  }
0x28: {  	s2 =	sld [smem:$0x3FA8]  }
0x29: {  	s4 =	sld [smem:$0x3FAA]  }
0x2a: {  	p0 =	seq.s32 s5, $0x0;
	s5 =	sld [smem:$0x3FAB]  }
0x2b: {  	s6 =	sld [smem:$0x3FAC]  }
0x2c: {  	s7 =	sld [smem:$0x3FAD]  }
0x2d: {  	s3 =	simm.s32 $0x108;
	s8 =	sld [smem:$0x3FAE]  }
0x2e: {  	s3 =	simm.s32 @!p0 $0x1082;
	s9 =	sld [smem:$0x3FAF]  }
0x2f: {  	lr =	sadd.s32 s0, s3;
	s0 =	sld [smem:$0x3FA6]  }
0x30: {  	s3 =	sld [smem:$0x3FA9]  }
0x31: {  	[smem:$0x3FB2] =	sst s10  }
0x32: {  	s10 =	sld [smem:$0x3FB0];
	_ =	sdelay $0x3  }
0x33: {  	p0 =	seq.s32 s10, $0x1;
	s10 =	sld [smem:$0x3FB2];
	_ =	sdelay $0x3  }
0x34: {  	[smem:$0x3FB2] =	sst s10  }
0x35: {  	s10 =	sld [smem:$0x3FB1];
	_ =	sdelay $0x3  }
0x36: {  	p1 =	seq.s32 s10, $0x1;
	s10 =	sld [smem:$0x3FB2];
	_ =	sdelay $0x3  }
0x37: {  	[smem:$0x3FB2] =	sst s10  }
0x38: {  	s10 =	sld [smem:$0x3FB3]  }
0x39: {  	_ = 	snop;
	(pc) =	sbr.ind lr, $3  }
0x3a: {  	_ = 	snop  }
0x3b: {  	_ = 	snop  }
0x3c: {  	p2 =	seq.s32 s10, $0x1;
	s10 =	sld [smem:$0x3FB2]  }
0x3d: {  	_ =	shalt  }
0x3e: {  	_ =	shalt  }
0x3f: {  	_ =	shalt  }
0x40: {  	_ =	shalt  }
0x41: {  	_ =	shalt  }
0x42: {  	_ =	shalt  }
0x43: {  	_ =	shalt  }
0x44: {  	_ =	shalt  }
0x45: {  	_ =	shalt  }
0x46: {  	_ =	shalt  }
0x47: {  	_ =	shalt  }
0x48: {  	_ =	shalt  }
0x49: {  	_ =	shalt  }
0x4a: {  	_ =	shalt  }
0x4b: {  	_ =	shalt  }
0x4c: {  	_ =	shalt  }
0x4d: {  	_ =	shalt  }
0x4e: {  	_ =	shalt  }
0x4f: {  	_ =	shalt  }
0x50: {  	_ =	shalt  }
0x51: {  	_ =	shalt  }
0x52: {  	_ =	shalt  }
0x53: {  	_ =	shalt  }
0x54: {  	_ =	shalt  }
0x55: {  	_ =	shalt  }
0x56: {  	_ =	shalt  }
0x57: {  	_ =	shalt  }
0x58: {  	_ =	shalt  }
0x59: {  	_ =	shalt  }
0x5a: {  	_ =	shalt  }
0x5b: {  	_ =	shalt  }
0x5c: {  	_ =	shalt  }
0x5d: {  	_ =	shalt  }
0x5e: {  	_ =	shalt  }
0x5f: {  	_ =	shalt  }
0x60: {  	_ =	shalt  }
0x61: {  	_ =	shalt  }
0x62: {  	_ =	shalt  }
0x63: {  	_ =	shalt  }
0x64: {  	_ =	shalt  }
0x65: {  	_ =	shalt  }
0x66: {  	_ =	shalt  }
0x67: {  	_ =	shalt  }
0x68: {  	_ =	shalt  }
0x69: {  	_ =	shalt  }
0x6a: {  	_ =	shalt  }
0x6b: {  	_ =	shalt  }
0x6c: {  	_ =	shalt  }
0x6d: {  	_ =	shalt  }
0x6e: {  	_ =	shalt  }
0x6f: {  	_ =	shalt  }
0x70: {  	_ =	shalt  }
0x71: {  	_ =	shalt  }
0x72: {  	_ =	shalt  }
0x73: {  	_ =	shalt  }
0x74: {  	_ =	shalt  }
0x75: {  	_ =	shalt  }
0x76: {  	_ =	shalt  }
0x77: {  	_ =	shalt  }
0x78: {  	_ =	shalt  }
0x79: {  	_ =	shalt  }
0x7a: {  	_ =	shalt  }
0x7b: {  	_ =	shalt  }
0x7c: {  	_ =	shalt  }
0x7d: {  	_ =	shalt  }
0x7e: {  	_ =	shalt  }
0x7f: {  	_ =	shalt  }
0x80: {  	_ =	shalt  }
0x81: {  	_ =	shalt  }
0x82: {  	_ =	shalt  }
0x83: {  	_ =	shalt  }
0x84: {  	_ =	shalt  }
0x85: {  	_ =	shalt  }
0x86: {  	_ =	shalt  }
0x87: {  	_ =	shalt  }
.Lfunc_end0:
.L_simem_size_0:
called_computation_lowered:
.L_overlay_start_0:
0x88: {  	s2 =	sld [smem:$0x3FD9]  }
0x89: {  	s3 =	sld [smem:$0x3FFE];
	_ =	sdelay $0x1  }
0x8a: {  	s1 =	srdreg.scid  }
0x8b: {  	s0 =	sand.u32 $0x1, s1  }
0x8c: {  	s16 =	sshll.u32 s0, $0xA;
	s2 =	sadd.s32 s3, s2  }
0x8d: {  	s2 =	sadd.s32 s2, s16  }
0x8e: {  	[smem:$0x3FBE] =	sst s2  }
0x8f: {  	_ = 	snop  }
0x90: {  	(tm) =	ssettm $0x1  }
0x91: {  	s17 =	sld [smem:$0x3FFB];
	_ =	sdelay $0x3  }
0x92: {  	_ =	strace s17  }
0x93: {  	s2 =	sld [smem:$0x3FFC];
	_ =	sdelay $0x3  }
0x94: {  	_ =	strace s2  }
0x95: {  	s2 =	sld [smem:$0x3FFD];
	_ =	sdelay $0x3  }
0x96: {  	_ =	strace s2  }
0x97: {  	_ =	strace $0x8FFFFFFF  }
0x98: {  	s18 =	sld [smem:$0x3FDB];
	_ =	sdelay $0x1  }
0x99: {  	s19 =	simm.s32 $_scs_section_size  }
0x9a: {  	s4 =	simm.s32 $_size__tile_overlayer_lowered;
	s5 =	simm.s32 $_tile_overlayer_lowered  }
0x9b: {  	s22 =	simm.s32 $0x1BFF;
	s21 =	sshll.u32 s5, $0x1;
	s2 =	sadd.s32 s19, s18  }
0x9c: {  	s6 =	simm.s32 $0x0;
	s20 =	sshll.u32 s4, $0x1;
	s4 =	sadd.s32 s21, s2  }
0x9d: {  	[timem:s6], [sflag:s22] =	dma.local [hbm:s4], s20  }
0x9e: {  	_ =	swait.ge [sflag:s22], s20  }
0x9f: {  	s3 =	ssub.s32 $0x0, s20;
	[sflag:s22] =	ssyncset.done $0x0  }
0xa0: {  	[sflag:s22] =	ssyncadd.s32 s3;
	_ =	sdelay $0x1  }
0xa1: {  	s23 =	simm.s32 $0x1B8B  }
0xa2: {  	_ =	swait.ge [sflag:s23], $0x1  }
0xa3: {  	[sflag:s23] =	ssyncset.done $0x0  }
0xa4: {  	s25 =	simm.s32 $0x1B8E;
	s24 =	sld [smem:$0x3FFE];
	[sflag:s23] =	ssyncadd.s32 $0xFFFFFFFF  }
0xa5: {  	s26 =	simm.s32 $execute0_lowered;
	[smem:$0x3FD2] =	sst s25  }
0xa6: {  	s4 =	sshll.u32 s26, $0x1;
	_ =	strace $0x80000046;
	[dreg:$0x1] =	wrdreg $0xFFFFFFFF  }
0xa7: {  	s28 =	simm.s32 $_size_execute0_lowered;
	s2 =	sadd.s32 s2, s4;
	[dreg:$0x0] =	wrdreg $0x0  }
0xa8: {  	s4 =	sshll.u32 s28, $0x1;
	[dreg:$0x2] =	wrdreg s2  }
0xa9: {  	[dreg:$0x3] =	wrdreg s4  }
0xaa: {  	[dreg:$0x4] =	wrdreg $0xC0  }
0xab: {  	_ =	task [dreg:s6], $0x5FFFF  }
0xac: {  	[dreg:$0x1] =	wrdreg $0xFFFFFFFF  }
0xad: {  	[dreg:$0x0] =	wrdreg $0x60  }
0xae: {  	[dreg:$0x2] =	wrdreg s24  }
0xaf: {  	[dreg:$0x3] =	wrdreg $0x2B800  }
0xb0: {  	[dreg:$0x4] =	wrdreg $0x9  }
0xb1: {  	_ =	task.clear_ibuf [dreg:s6], $0x5FFFF;
	_ =	strace $0x90000046  }
0xb2: {  	s29 =	simm.s32 $0x9;
	_ =	strace $0x80000048  }
0xb3: {  	_ =	swait.ge [sflag:s29], $0x1  }
0xb4: {  	[sflag:s29] =	ssyncadd.s32 $0xFFFFFFFF  }
0xb5: {  	_ =	strace $0x90000048  }
0xb6: {  	_ =	sfence  }
0xb7: {  	s30 =	sld [smem:$0x0];
	_ =	sdelay $0x2  }
0xb8: {  	s31 =	sshll.u32 s1, $0xD;
	s1 =	sshrl.u32 s1, $0x2  }
0xb9: {  	s3 =	sand.u32 $0x4000, s31;
	s1 =	sadd.s32 s1, s30  }
0xba: {  	s0 =	sor.u32 s3, s0;
	s1 =	sshll.u32 s1, $0x11  }
0xbb: {  	s0 =	sor.u32 s1, s0  }
0xbc: {  	s0 =	sadd.s32 $0x8F2B, s0  }
0xbd: {  	[sflag:s0] =	ssyncadd.remote.s32 $0x1  }
0xbe: {  	_ =	sfence.sel $0xFFFF  }
0xbf: {  	[dreg:$0x0] =	wrdreg $0xFFFFFFFF;
	(pc) =	sbr.abs _section_cstart, $3  }
0xc0: {  	[dreg:$0x1] =	wrdreg $0xFFFFFFFF  }
0xc1: {  	_ =	task.clear_ibuf [dreg:s6], $0x2FFFF;
	_ =	strace $0x9FFFFFFF  }
0xc2: {  	(tm) =	ssettm $0x7FFFFFFF  }
0xc3: {  	_ =	shalt  }
tec
execute0_lowered:
.L_overlay_start_1:
0x0: {  	(tag) =	ssettag $0x1  }
0x1: {  	s1 =	srdreg.scid;
	s6 =	rddreg [dreg:$0x0]  }
0x2: {  	s0 =	stileid.u32;
	s2 =	rddreg [dreg:$0x1]  }
0x3: {  	s3 =	simm.s32 $0x0;
	s12 =	simm.s32 $0x2780;
	s13 =	simm.s32 $0x80  }
0x4: {  	s14 =	simm.s32 $0x0;
	s5 =	sand.u32 $0x1, s1;
	s29 =	sshll.u32 s0, $0x1  }
0x5: {  	s7 =	smul.u32 $0x1400, s0;
	[smem:$0x7FF] =	sst s3;
	s31 =	sshll.u32 s0, $0x6  }
0x6: {  	s1 =	sor.u32 s5, s29;
	s8 =	smul.u32 $0x14000, s5;
	s10 =	ssub.s32 $0x2, s5  }
0x7: {  	s5 =	sadd.s32 $0x2000, s6;
	s4 =	smul.u32 $0x4F0, s1;
	s1 =	rddreg [dreg:$0x2]  }
0x8: {  	_ =	strace $0x80000047;
	s30 =	sshrl.u32 s10, $0x1;
	s8 =	sadd.s32 s7, s8  }
0x9: {  	s11 =	sadd.s32 s7, s2;
	s10 =	ssub.s32 s10, s30;
	s8 =	sshrl.u32 s8, $0x3  }
0xa: {  	s9 =	sadd.s32 s4, s6;
	s4 =	sadd.s32 $0x1C00, s6;
	s8 =	sadd.s32 s8, s6  }
0xb: {  	s6 =	sor.u32 $0x1C01, s31;
	s7 =	sadd.s32 $0x2200, s9;
	s9 =	smax.u32 s10, $0x1  }
0xc: {  	s10 =	sshrl.u32 s11, $0x3;
	s11 =	simm.s32 $0x1;
	s8 =	sadd.s32 $0xC000, s8  }
.LBB2_1:
0xd: {  	[spmem:s10], [sflag:s6] =	dma.local [hbm:s4], $0x280  }
0xe: {  	_ =	swait.ge [sflag:s11], $0x280  }
0xf: {  	[sflag:s11] =	ssyncset.done $0x0  }
0x10: {  	[sflag:s11] =	ssyncadd.s32 $0xFFFFFD80  }
0x11: {  	[tilespmem:s3], [sflag:$0x1] =	stream.linear.gather [hbm4b:s7+s3], $0x2780, $0x38;
	[tilespmem:$0x2E00] =	vst v63  }
0x12: {  	_ =	swait.ge [sflag:s11], $0x2780  }
0x13: {  	[sflag:s11] =	ssyncset.done $0x0  }
0x14: {  	[sflag:s11] =	ssyncadd.s32 $0xFFFFD880  }
0x15: {  	[tilespmem:s12], [sflag:$0x1] =	stream.linear.gather [hbm4b:s5+s3], $0x400, $0x38;
	[tilespmem:$0x2E00] =	vst v63  }
0x16: {  	_ =	swait.ge [sflag:s11], $0x400  }
0x17: {  	[sflag:s11] =	ssyncset.done $0x0  }
0x18: {  	[sflag:s11] =	ssyncadd.s32 $0xFFFFFC00  }
0x19: {  	s15 =	simm.s32 $0x0;
	[bflag:$0x0] =	sbarrier.arrive $0xFFFF  }
0x1a: {  	[spmem:s2] =	stream.indirect.scatter.add.f32 [tilespmem:s12], [sflag:$0x1], $0x1, s15, s13, $0xb8;
	[tilespmem:$0x2E00] =	vst v63  }
0x1b: {  	_ =	swait.ge [sflag:s11], $0x80  }
0x1c: {  	s15 =	simm.s32 $0x200;
	[sflag:s11] =	ssyncset.done $0x0  }
.LBB2_2:
0x1d: {  	s16 =	sshra.s32 s15, $0x2;
	[sflag:s11] =	ssyncadd.s32 $0xFFFFFF80;
	p0 =	sne.s32 s15, $0x9C00  }
0x1e: {  	[spmem:s2] =	stream.indirect.scatter.add.f32 [tilespmem:s12], [sflag:$0x1], $0x1, s16, s13, $0xb8;
	[tilespmem:$0x2E00] =	vst v63  }
.Ltmp0:
0x1f: {  	_ = 	snop;
	(pc) =	sbr.rel @p0 .LBB2_2-.Ltmp0, $4  }
0x20: {  	_ = 	snop  }
0x21: {  	s15 =	sadd.s32 $0x200, s15  }
0x22: {  	_ =	swait.ge [sflag:s11], $0x80  }
0x23: {  	[sflag:s11] =	ssyncset.done $0x0  }
0x24: {  	s14 =	sadd.s32 $0x1, s14  }
0x25: {  	[sflag:s11] =	ssyncadd.s32 $0xFFFFFF80;
	p0 =	sne.s32 s14, s9  }
.Ltmp1:
0x26: {  	[bflag:$0x0] =	sbarrier.arrive $0xFFFF;
	(pc) =	sbr.rel @p0 .LBB2_1-.Ltmp1, $4  }
0x27: {  	[hbm:s8], [sflag:s6] =	dma.local [spmem:s10], $0x280  }
0x28: {  	_ =	swait.ge [sflag:s11], $0x280  }
0x29: {  	[sflag:s11] =	ssyncset.done $0x0  }
0x2a: {  	[sflag:s11] =	ssyncadd.s32 $0xFFFFFD80  }
0x2b: {  	_ =	sfence.sel $0x180000  }
0x2c: {  	[bflag:$0x0] =	sbarrier.arrive $0xFFFF  }
0x2d: {  	p0 =	sne.s32 s0, $0x0;
	_ =	strace $0x90000047  }
0x2e: {  	s0 =	sadd.s32 @!p0 $0x100000, s1;
	[bflag:$0x2] =	sbarrier.arrive $0xFFFF  }
0x2f: {  	[sflag:s0] =	ssyncadd.tile.s32 @!p0 $0x1;
	_ =	shalt  }
.Lfunc_end2:
_tile_overlayer_lowered:
.L_overlay_start_2:
0x30: {  	(tag) =	ssettag $0x2  }
0x31: {  	s0 =	rddreg [dreg:$0x0];
	s2 =	stileid.u32  }
0x32: {  	s1 =	rddreg [dreg:$0x1];
	p0 =	sne.s32 s2, $0x0  }
0x33: {  	s3 =	rddreg [dreg:$0x2];
	[bflag:$0x3] =	sbarrier.arrive $0xFFFF;
	s2 =	simm.s32 @!p0 $0x1C01  }
0x34: {  	[timem:s3], [sflag:s2] =	dma.local @!p0 [hbm:s0], s1  }
0x35: {  	s0 =	simm.s32 @!p0 $0x1  }
0x36: {  	_ =	swait.ge @!p0 [sflag:s0], s1  }
0x37: {  	s1 =	ssub.s32 @!p0 $0x0, s1;
	[sflag:s0] =	ssyncset.done @!p0 $0x0  }
0x38: {  	[sflag:s0] =	ssyncadd.s32 @!p0 s1  }
0x39: {  	[bflag:$0x3] =	sbarrier.arrive $0xFFFF  }
0x3a: {  	_ =	shalt  }

</sc_bundles>
